<compile_context>
chip_gen: v7x
topology: tpu7x:2x2x1
jax: 0.10.2.dev20260603
libtpu: 0.0.44.dev20260713+nightly
codegen_flags: <defaults>
</compile_context>

<pallas_src>
import functools

import jax
import jax.numpy as jnp
from jax import lax
from jax.experimental import pallas as pl
from jax.experimental.pallas import tpu as pltpu
from jax.experimental.pallas import tpu_sc as plsc

N_TOK = 8192
N_EMBED = 8192
EMBED_DIM = 64
BETA = 0.25
TN = 4096
GRID = N_TOK // TN


_KC = 256
_NKC = N_EMBED // _KC


def _argmax_body(z_ref, w_ref, idx_ref, wpad_ref, ncb_ref):
    step = pl.program_id(0)

    @pl.when(step == 0)
    def _():
        w = w_ref[...]
        ncb_ref[...] = w / jnp.maximum(
            jnp.sqrt(jnp.sum(w * w, axis=1, keepdims=True)), 1e-12)
        wpad_ref[:, :EMBED_DIM] = w
        wpad_ref[:, EMBED_DIM:] = jnp.zeros_like(w)

    zt = z_ref[...]
    nz = zt / jnp.maximum(
        jnp.sqrt(jnp.sum(zt * zt, axis=1, keepdims=True)), 1e-12)

    def chunk(c):
        return jax.lax.dot_general(
            nz, ncb_ref[pl.ds(c * _KC, _KC), :],
            (((1,), (1,)), ((), ())),
            preferred_element_type=jnp.float32)

    acc_m = chunk(0)
    acc_c = jnp.zeros((TN, _KC), jnp.int32)
    for c in range(1, _NKC):
        dc = chunk(c)
        g = dc > acc_m
        acc_m = jnp.where(g, dc, acc_m)
        acc_c = jnp.where(g, c, acc_c)
    m = jnp.max(acc_m, axis=1, keepdims=True)
    lane = jax.lax.broadcasted_iota(jnp.int32, (TN, _KC), 1)
    cand = acc_c * _KC + lane
    idx_ref[...] = jnp.min(jnp.where(acc_m == m, cand, N_EMBED), axis=1,
                           keepdims=True)


def _tc_argmax(z_flat, weight):
    return pl.pallas_call(
        _argmax_body,
        grid=(GRID,),
        in_specs=[
            pl.BlockSpec((TN, EMBED_DIM), lambda i: (i, 0)),
            pl.BlockSpec((N_EMBED, EMBED_DIM), lambda i: (0, 0)),
        ],
        out_specs=[
            pl.BlockSpec((TN, 1), lambda i: (i, 0)),
            pl.BlockSpec((N_EMBED, 2 * EMBED_DIM), lambda i: (0, 0)),
        ],
        out_shape=[
            jax.ShapeDtypeStruct((N_TOK, 1), jnp.int32),
            jax.ShapeDtypeStruct((N_EMBED, 2 * EMBED_DIM), jnp.float32),
        ],
        scratch_shapes=[pltpu.VMEM((N_EMBED, EMBED_DIM), jnp.float32)],
    )(z_flat, weight)



_NC, _NS = 2, 16
_NW = _NC * _NS
_RPW = N_TOK // _NW
_CH = 128
_NCHUNK = _RPW // _CH


def _sc_gather_hist_body(w_hbm, idx_hbm, zq_hbm, cnt_hbm,
                         idx_v, rows_v, ones_v, zero_v, cnt_sh, sem):
    cid = lax.axis_index("c")
    sid = lax.axis_index("s")
    wid = cid * _NS + sid
    base = wid * _RPW

    for i in range(_CH // 16):
        ones_v[pl.ds(i * 16, 16)] = jnp.ones((16,), jnp.float32)
    for i in range((N_EMBED // _NS) // 16):
        zero_v[pl.ds(i * 16, 16)] = jnp.zeros((16,), jnp.float32)

    pltpu.sync_copy(zero_v, cnt_sh.at[pl.ds(sid * (N_EMBED // _NS),
                                            N_EMBED // _NS)])

    pltpu.sync_copy(idx_hbm.at[pl.ds(wid * _NCHUNK, _NCHUNK)], idx_v)

    plsc.subcore_barrier()

    for j in range(_NCHUNK):
        chunk_idx = idx_v.at[j]
        pltpu.async_copy(w_hbm.at[chunk_idx], rows_v, sem).wait()
        pltpu.sync_copy(rows_v, zq_hbm.at[pl.ds(base + j * _CH, _CH)])
        pltpu.sync_copy(ones_v, cnt_sh.at[chunk_idx], add=True)

    plsc.subcore_barrier()

    @pl.when(sid == 0)
    def _():
        pltpu.sync_copy(cnt_sh, cnt_hbm.at[pl.ds(cid * N_EMBED, N_EMBED)])


@functools.cache
def _sc_gather_hist():
    mesh = plsc.VectorSubcoreMesh(
        core_axis_name="c", subcore_axis_name="s",
        num_cores=_NC, num_subcores=_NS)
    return pl.kernel(
        _sc_gather_hist_body,
        out_type=(
            jax.ShapeDtypeStruct((N_TOK, 2 * EMBED_DIM), jnp.float32),
            jax.ShapeDtypeStruct((_NC * N_EMBED,), jnp.float32),
        ),
        mesh=mesh,
        scratch_types=[
            pltpu.VMEM((_NCHUNK, _CH), jnp.int32),
            pltpu.VMEM((_CH, 2 * EMBED_DIM), jnp.float32),
            pltpu.VMEM((_CH,), jnp.float32),
            pltpu.VMEM((N_EMBED // _NS,), jnp.float32),
            pltpu.VMEM_SHARED((N_EMBED,), jnp.float32),
            pltpu.SemaphoreType.DMA,
        ],
    )



_BB = N_TOK // 8


def _stats_body(zq_ref, z_ref, cnt_ref, zqt_ref, loss_ref, perp_ref,
                lacc_ref):
    step = pl.program_id(0)

    @pl.when(step == 0)
    def _():
        lacc_ref[0, 0] = 0.0

    zq = zq_ref[:, :EMBED_DIM]
    zqt = jnp.transpose(zq, (1, 0))
    zqt_ref[...] = zqt.reshape(1, EMBED_DIM, _BB)
    diff = zq - z_ref[...]
    lacc_ref[0, 0] += jnp.sum(diff * diff)

    @pl.when(step == 7)
    def _():
        loss_ref[0, 0] = (1.0 + BETA) * lacc_ref[0, 0] / float(
            N_TOK * EMBED_DIM)
        probs = (cnt_ref[0:1, :] + cnt_ref[1:2, :]) / float(N_TOK)
        perp_ref[0, 0] = jnp.exp(-jnp.sum(probs * jnp.log(probs + 1e-10)))


def _tc_stats(zq_pad, z_flat, counts2):
    return pl.pallas_call(
        _stats_body,
        grid=(8,),
        in_specs=[
            pl.BlockSpec((_BB, 2 * EMBED_DIM), lambda i: (i, 0)),
            pl.BlockSpec((_BB, EMBED_DIM), lambda i: (i, 0)),
            pl.BlockSpec((2, N_EMBED), lambda i: (0, 0)),
        ],
        out_specs=[
            pl.BlockSpec((1, EMBED_DIM, _BB), lambda i: (i, 0, 0)),
            pl.BlockSpec(memory_space=pltpu.SMEM),
            pl.BlockSpec(memory_space=pltpu.SMEM),
        ],
        out_shape=[
            jax.ShapeDtypeStruct((8, EMBED_DIM, _BB), jnp.float32),
            jax.ShapeDtypeStruct((1, 1), jnp.float32),
            jax.ShapeDtypeStruct((1, 1), jnp.float32),
        ],
        scratch_shapes=[pltpu.SMEM((1, 1), jnp.float32)],
    )(zq_pad, z_flat, counts2)




def kernel(z, weight):
    zt = jnp.transpose(z, (0, 2, 3, 1))
    z_flat = zt.reshape(-1, EMBED_DIM)
    idx2, wpad = _tc_argmax(z_flat, weight)
    idx_rows = idx2.reshape(N_TOK // _CH, _CH)
    zq_pad, cnt_flat = _sc_gather_hist()(wpad, idx_rows)
    counts2 = cnt_flat.reshape(_NC, N_EMBED)
    zqt, loss, perp = _tc_stats(zq_pad, z_flat, counts2)
    z_q_out = zqt.reshape(z.shape)
    return (z_q_out, idx2.reshape(N_TOK), loss[0, 0], perp[0, 0])

# --- scband reference (transcript-rebuilt; emitter-appended) ---
"""Pipeline reference for scband-vector-quantizer-ema-6597069767077 (READ-ONLY COPY).

The authoritative reference and input builder live on the scoring server;
editing this copy changes nothing except your own understanding.
"""

import jax, jax.numpy as jnp
import numpy as np

NUM_EMBED = 8192
EMBED_DIM = 64
BETA = 0.25


def setup_inputs(seed: int = 0) -> dict:
    key = jax.random.key(seed)
    k1, k2 = jax.random.split(key)
    z = jax.random.normal(k1, (8, 64, 32, 32), dtype=jnp.float32)
    weight = jax.random.uniform(
        k2, (NUM_EMBED, EMBED_DIM), dtype=jnp.float32,
        minval=-1.0 / NUM_EMBED, maxval=1.0 / NUM_EMBED)
    return {"z": z, "weight": weight}


def _l2_normalize(x, axis, eps=1e-12):
    # matches torch F.normalize: x / max(||x||, eps)
    n = jnp.linalg.norm(x, axis=axis, keepdims=True)
    return x / jnp.maximum(n, eps)


def reference(z, weight):
    # z: [B, C, H, W] -> [B, H, W, C]
    zt = jnp.transpose(z, (0, 2, 3, 1))
    z_flat = zt.reshape(-1, EMBED_DIM)
    # distance == 'cos' branch; z side is detached in the original
    zf_sg = jax.lax.stop_gradient(z_flat)
    normed_z = _l2_normalize(zf_sg, axis=1)
    normed_cb = _l2_normalize(weight, axis=1)
    d = normed_z @ normed_cb.T  # [N, K] cosine similarity
    # sort ascending and take last column == argmax
    encoding_indices = jnp.argmax(d, axis=1)
    encodings = jax.nn.one_hot(encoding_indices, NUM_EMBED, dtype=z.dtype)  # [N, K]
    z_q = (encodings @ weight).reshape(zt.shape)
    # training=True loss
    loss = BETA * jnp.mean((jax.lax.stop_gradient(z_q) - zt) ** 2) \
         + jnp.mean((z_q - jax.lax.stop_gradient(zt)) ** 2)
    # straight-through estimator
    z_q_st = zt + jax.lax.stop_gradient(z_q - zt)
    z_q_out = jnp.transpose(z_q_st, (0, 3, 1, 2))  # back to [B, C, H, W]
    avg_probs = jnp.mean(encodings, axis=0)
    perplexity = jnp.exp(-jnp.sum(avg_probs * jnp.log(avg_probs + 1e-10)))
    return (z_q_out, encoding_indices, loss, perplexity)

if __name__ == "__main__":
    import jax
    _d = setup_inputs()
    print(jax.jit(kernel)(*tuple(_d.values())))

</pallas_src>

<mosaic_0001>
#map = affine_map<(d0, d1) -> (0, 0)>
#map1 = affine_map<(d0, d1) -> (0)>
module attributes {stable_mosaic.version = 14 : i64} {
  func.func @_sc_gather_hist_body(%arg0: i32, %arg1: i32, %arg2: memref<8192x128xf32, #tpu.memory_space<hbm>>, %arg3: memref<64x128xi32, #tpu.memory_space<hbm>>, %arg4: memref<8192x128xf32, #tpu.memory_space<hbm>>, %arg5: memref<16384xf32, #tpu.memory_space<hbm>>, %arg6: memref<2x128xi32, #tpu.memory_space<vmem>>, %arg7: memref<128x128xf32, #tpu.memory_space<vmem>>, %arg8: memref<128xf32, #tpu.memory_space<vmem>>, %arg9: memref<512xf32, #tpu.memory_space<vmem>>, %arg10: memref<8192xf32, #tpu.memory_space<vmem_shared>>, %arg11: memref<!tpu.dma_semaphore, #tpu.memory_space<semaphore_mem>>) attributes {dimension_semantics = [#tpu.dimension_semantics<core_parallel>, #tpu.dimension_semantics<subcore_parallel>], iteration_bounds = array<i64: 2, 16>, scalar_prefetch = 0 : i64, scratch_operands = 6 : i64, tpu.core_type = #tpu.core_type<sc_vector_subcore>, window_params = [{transform_indices = #map}, {transform_indices = #map}, {transform_indices = #map}, {transform_indices = #map1}]} {
    %mul3A = arith.constant 16 : i32
    %mul3A_0 = arith.muli %arg0, %mul3A : i32
    %add3A = arith.addi %mul3A_0, %arg1 : i32
    %mul3A_1 = arith.constant 256 : i32
    %mul3A_2 = arith.muli %add3A, %mul3A_1 : i32
    %broadcast_in_dim3A = arith.constant 1.000000e+00 : f32
    %broadcast_in_dim3A_3 = vector.broadcast %broadcast_in_dim3A : f32 to vector<16xf32>
    %swap3A = arith.constant 0 : index
    %swap3A_4 = tpu.vector_load %arg8[%swap3A] {strides = array<i32>} : memref<128xf32, #tpu.memory_space<vmem>>, vector<16xf32>,
    %swap3A_5 = vector.shape_cast %swap3A_4 : vector<16xf32> to vector<16xf32>
    %swap3A_6 = vector.shape_cast %broadcast_in_dim3A_3 : vector<16xf32> to vector<16xf32>
    tpu.vector_store %arg8[%swap3A], %swap3A_6 {strides = array<i32>} : memref<128xf32, #tpu.memory_space<vmem>>, vector<16xf32>,
    %broadcast_in_dim3A_7 = arith.constant 1.000000e+00 : f32
    %broadcast_in_dim3A_8 = vector.broadcast %broadcast_in_dim3A_7 : f32 to vector<16xf32>
    %swap3A_9 = arith.constant 16 : index
    %swap3A_10 = tpu.vector_load %arg8[%swap3A_9] {strides = array<i32>} : memref<128xf32, #tpu.memory_space<vmem>>, vector<16xf32>,
    %swap3A_11 = vector.shape_cast %swap3A_10 : vector<16xf32> to vector<16xf32>
    %swap3A_12 = vector.shape_cast %broadcast_in_dim3A_8 : vector<16xf32> to vector<16xf32>
    tpu.vector_store %arg8[%swap3A_9], %swap3A_12 {strides = array<i32>} : memref<128xf32, #tpu.memory_space<vmem>>, vector<16xf32>,
    %broadcast_in_dim3A_13 = arith.constant 1.000000e+00 : f32
    %broadcast_in_dim3A_14 = vector.broadcast %broadcast_in_dim3A_13 : f32 to vector<16xf32>
    %swap3A_15 = arith.constant 32 : index
    %swap3A_16 = tpu.vector_load %arg8[%swap3A_15] {strides = array<i32>} : memref<128xf32, #tpu.memory_space<vmem>>, vector<16xf32>,
    %swap3A_17 = vector.shape_cast %swap3A_16 : vector<16xf32> to vector<16xf32>
    %swap3A_18 = vector.shape_cast %broadcast_in_dim3A_14 : vector<16xf32> to vector<16xf32>
    tpu.vector_store %arg8[%swap3A_15], %swap3A_18 {strides = array<i32>} : memref<128xf32, #tpu.memory_space<vmem>>, vector<16xf32>,
    %broadcast_in_dim3A_19 = arith.constant 1.000000e+00 : f32
    %broadcast_in_dim3A_20 = vector.broadcast %broadcast_in_dim3A_19 : f32 to vector<16xf32>
    %swap3A_21 = arith.constant 48 : index
    %swap3A_22 = tpu.vector_load %arg8[%swap3A_21] {strides = array<i32>} : memref<128xf32, #tpu.memory_space<vmem>>, vector<16xf32>,
    %swap3A_23 = vector.shape_cast %swap3A_22 : vector<16xf32> to vector<16xf32>
    %swap3A_24 = vector.shape_cast %broadcast_in_dim3A_20 : vector<16xf32> to vector<16xf32>
    tpu.vector_store %arg8[%swap3A_21], %swap3A_24 {strides = array<i32>} : memref<128xf32, #tpu.memory_space<vmem>>, vector<16xf32>,
    %broadcast_in_dim3A_25 = arith.constant 1.000000e+00 : f32
    %broadcast_in_dim3A_26 = vector.broadcast %broadcast_in_dim3A_25 : f32 to vector<16xf32>
    %swap3A_27 = arith.constant 64 : index
    %swap3A_28 = tpu.vector_load %arg8[%swap3A_27] {strides = array<i32>} : memref<128xf32, #tpu.memory_space<vmem>>, vector<16xf32>,
    %swap3A_29 = vector.shape_cast %swap3A_28 : vector<16xf32> to vector<16xf32>
    %swap3A_30 = vector.shape_cast %broadcast_in_dim3A_26 : vector<16xf32> to vector<16xf32>
    tpu.vector_store %arg8[%swap3A_27], %swap3A_30 {strides = array<i32>} : memref<128xf32, #tpu.memory_space<vmem>>, vector<16xf32>,
    %broadcast_in_dim3A_31 = arith.constant 1.000000e+00 : f32
    %broadcast_in_dim3A_32 = vector.broadcast %broadcast_in_dim3A_31 : f32 to vector<16xf32>
    %swap3A_33 = arith.constant 80 : index
    %swap3A_34 = tpu.vector_load %arg8[%swap3A_33] {strides = array<i32>} : memref<128xf32, #tpu.memory_space<vmem>>, vector<16xf32>,
    %swap3A_35 = vector.shape_cast %swap3A_34 : vector<16xf32> to vector<16xf32>
    %swap3A_36 = vector.shape_cast %broadcast_in_dim3A_32 : vector<16xf32> to vector<16xf32>
    tpu.vector_store %arg8[%swap3A_33], %swap3A_36 {strides = array<i32>} : memref<128xf32, #tpu.memory_space<vmem>>, vector<16xf32>,
    %broadcast_in_dim3A_37 = arith.constant 1.000000e+00 : f32
    %broadcast_in_dim3A_38 = vector.broadcast %broadcast_in_dim3A_37 : f32 to vector<16xf32>
    %swap3A_39 = arith.constant 96 : index
    %swap3A_40 = tpu.vector_load %arg8[%swap3A_39] {strides = array<i32>} : memref<128xf32, #tpu.memory_space<vmem>>, vector<16xf32>,
    %swap3A_41 = vector.shape_cast %swap3A_40 : vector<16xf32> to vector<16xf32>
    %swap3A_42 = vector.shape_cast %broadcast_in_dim3A_38 : vector<16xf32> to vector<16xf32>
    tpu.vector_store %arg8[%swap3A_39], %swap3A_42 {strides = array<i32>} : memref<128xf32, #tpu.memory_space<vmem>>, vector<16xf32>,
    %broadcast_in_dim3A_43 = arith.constant 1.000000e+00 : f32
    %broadcast_in_dim3A_44 = vector.broadcast %broadcast_in_dim3A_43 : f32 to vector<16xf32>
    %swap3A_45 = arith.constant 112 : index
    %swap3A_46 = tpu.vector_load %arg8[%swap3A_45] {strides = array<i32>} : memref<128xf32, #tpu.memory_space<vmem>>, vector<16xf32>,
    %swap3A_47 = vector.shape_cast %swap3A_46 : vector<16xf32> to vector<16xf32>
    %swap3A_48 = vector.shape_cast %broadcast_in_dim3A_44 : vector<16xf32> to vector<16xf32>
    tpu.vector_store %arg8[%swap3A_45], %swap3A_48 {strides = array<i32>} : memref<128xf32, #tpu.memory_space<vmem>>, vector<16xf32>,
    %broadcast_in_dim3A_49 = arith.constant 0.000000e+00 : f32
    %broadcast_in_dim3A_50 = vector.broadcast %broadcast_in_dim3A_49 : f32 to vector<16xf32>
    %swap3A_51 = arith.constant 0 : index
    %swap3A_52 = tpu.vector_load %arg9[%swap3A_51] {strides = array<i32>} : memref<512xf32, #tpu.memory_space<vmem>>, vector<16xf32>,
    %swap3A_53 = vector.shape_cast %swap3A_52 : vector<16xf32> to vector<16xf32>
    %swap3A_54 = vector.shape_cast %broadcast_in_dim3A_50 : vector<16xf32> to vector<16xf32>
    tpu.vector_store %arg9[%swap3A_51], %swap3A_54 {strides = array<i32>} : memref<512xf32, #tpu.memory_space<vmem>>, vector<16xf32>,
    %broadcast_in_dim3A_55 = arith.constant 0.000000e+00 : f32
    %broadcast_in_dim3A_56 = vector.broadcast %broadcast_in_dim3A_55 : f32 to vector<16xf32>
    %swap3A_57 = arith.constant 16 : index
    %swap3A_58 = tpu.vector_load %arg9[%swap3A_57] {strides = array<i32>} : memref<512xf32, #tpu.memory_space<vmem>>, vector<16xf32>,
    %swap3A_59 = vector.shape_cast %swap3A_58 : vector<16xf32> to vector<16xf32>
    %swap3A_60 = vector.shape_cast %broadcast_in_dim3A_56 : vector<16xf32> to vector<16xf32>
    tpu.vector_store %arg9[%swap3A_57], %swap3A_60 {strides = array<i32>} : memref<512xf32, #tpu.memory_space<vmem>>, vector<16xf32>,
    %broadcast_in_dim3A_61 = arith.constant 0.000000e+00 : f32
    %broadcast_in_dim3A_62 = vector.broadcast %broadcast_in_dim3A_61 : f32 to vector<16xf32>
    %swap3A_63 = arith.constant 32 : index
    %swap3A_64 = tpu.vector_load %arg9[%swap3A_63] {strides = array<i32>} : memref<512xf32, #tpu.memory_space<vmem>>, vector<16xf32>,
    %swap3A_65 = vector.shape_cast %swap3A_64 : vector<16xf32> to vector<16xf32>
    %swap3A_66 = vector.shape_cast %broadcast_in_dim3A_62 : vector<16xf32> to vector<16xf32>
    tpu.vector_store %arg9[%swap3A_63], %swap3A_66 {strides = array<i32>} : memref<512xf32, #tpu.memory_space<vmem>>, vector<16xf32>,
    %broadcast_in_dim3A_67 = arith.constant 0.000000e+00 : f32
    %broadcast_in_dim3A_68 = vector.broadcast %broadcast_in_dim3A_67 : f32 to vector<16xf32>
    %swap3A_69 = arith.constant 48 : index
    %swap3A_70 = tpu.vector_load %arg9[%swap3A_69] {strides = array<i32>} : memref<512xf32, #tpu.memory_space<vmem>>, vector<16xf32>,
    %swap3A_71 = vector.shape_cast %swap3A_70 : vector<16xf32> to vector<16xf32>
    %swap3A_72 = vector.shape_cast %broadcast_in_dim3A_68 : vector<16xf32> to vector<16xf32>
    tpu.vector_store %arg9[%swap3A_69], %swap3A_72 {strides = array<i32>} : memref<512xf32, #tpu.memory_space<vmem>>, vector<16xf32>,
    %broadcast_in_dim3A_73 = arith.constant 0.000000e+00 : f32
    %broadcast_in_dim3A_74 = vector.broadcast %broadcast_in_dim3A_73 : f32 to vector<16xf32>
    %swap3A_75 = arith.constant 64 : index
    %swap3A_76 = tpu.vector_load %arg9[%swap3A_75] {strides = array<i32>} : memref<512xf32, #tpu.memory_space<vmem>>, vector<16xf32>,
    %swap3A_77 = vector.shape_cast %swap3A_76 : vector<16xf32> to vector<16xf32>
    %swap3A_78 = vector.shape_cast %broadcast_in_dim3A_74 : vector<16xf32> to vector<16xf32>
    tpu.vector_store %arg9[%swap3A_75], %swap3A_78 {strides = array<i32>} : memref<512xf32, #tpu.memory_space<vmem>>, vector<16xf32>,
    %broadcast_in_dim3A_79 = arith.constant 0.000000e+00 : f32
    %broadcast_in_dim3A_80 = vector.broadcast %broadcast_in_dim3A_79 : f32 to vector<16xf32>
    %swap3A_81 = arith.constant 80 : index
    %swap3A_82 = tpu.vector_load %arg9[%swap3A_81] {strides = array<i32>} : memref<512xf32, #tpu.memory_space<vmem>>, vector<16xf32>,
    %swap3A_83 = vector.shape_cast %swap3A_82 : vector<16xf32> to vector<16xf32>
    %swap3A_84 = vector.shape_cast %broadcast_in_dim3A_80 : vector<16xf32> to vector<16xf32>
    tpu.vector_store %arg9[%swap3A_81], %swap3A_84 {strides = array<i32>} : memref<512xf32, #tpu.memory_space<vmem>>, vector<16xf32>,
    %broadcast_in_dim3A_85 = arith.constant 0.000000e+00 : f32
    %broadcast_in_dim3A_86 = vector.broadcast %broadcast_in_dim3A_85 : f32 to vector<16xf32>
    %swap3A_87 = arith.constant 96 : index
    %swap3A_88 = tpu.vector_load %arg9[%swap3A_87] {strides = array<i32>} : memref<512xf32, #tpu.memory_space<vmem>>, vector<16xf32>,
    %swap3A_89 = vector.shape_cast %swap3A_88 : vector<16xf32> to vector<16xf32>
    %swap3A_90 = vector.shape_cast %broadcast_in_dim3A_86 : vector<16xf32> to vector<16xf32>
    tpu.vector_store %arg9[%swap3A_87], %swap3A_90 {strides = array<i32>} : memref<512xf32, #tpu.memory_space<vmem>>, vector<16xf32>,
    %broadcast_in_dim3A_91 = arith.constant 0.000000e+00 : f32
    %broadcast_in_dim3A_92 = vector.broadcast %broadcast_in_dim3A_91 : f32 to vector<16xf32>
    %swap3A_93 = arith.constant 112 : index
    %swap3A_94 = tpu.vector_load %arg9[%swap3A_93] {strides = array<i32>} : memref<512xf32, #tpu.memory_space<vmem>>, vector<16xf32>,
    %swap3A_95 = vector.shape_cast %swap3A_94 : vector<16xf32> to vector<16xf32>
    %swap3A_96 = vector.shape_cast %broadcast_in_dim3A_92 : vector<16xf32> to vector<16xf32>
    tpu.vector_store %arg9[%swap3A_93], %swap3A_96 {strides = array<i32>} : memref<512xf32, #tpu.memory_space<vmem>>, vector<16xf32>,
    %broadcast_in_dim3A_97 = arith.constant 0.000000e+00 : f32
    %broadcast_in_dim3A_98 = vector.broadcast %broadcast_in_dim3A_97 : f32 to vector<16xf32>
    %swap3A_99 = arith.constant 128 : index
    %swap3A_100 = tpu.vector_load %arg9[%swap3A_99] {strides = array<i32>} : memref<512xf32, #tpu.memory_space<vmem>>, vector<16xf32>,
    %swap3A_101 = vector.shape_cast %swap3A_100 : vector<16xf32> to vector<16xf32>
    %swap3A_102 = vector.shape_cast %broadcast_in_dim3A_98 : vector<16xf32> to vector<16xf32>
    tpu.vector_store %arg9[%swap3A_99], %swap3A_102 {strides = array<i32>} : memref<512xf32, #tpu.memory_space<vmem>>, vector<16xf32>,
    %broadcast_in_dim3A_103 = arith.constant 0.000000e+00 : f32
    %broadcast_in_dim3A_104 = vector.broadcast %broadcast_in_dim3A_103 : f32 to vector<16xf32>
    %swap3A_105 = arith.constant 144 : index
    %swap3A_106 = tpu.vector_load %arg9[%swap3A_105] {strides = array<i32>} : memref<512xf32, #tpu.memory_space<vmem>>, vector<16xf32>,
    %swap3A_107 = vector.shape_cast %swap3A_106 : vector<16xf32> to vector<16xf32>
    %swap3A_108 = vector.shape_cast %broadcast_in_dim3A_104 : vector<16xf32> to vector<16xf32>
    tpu.vector_store %arg9[%swap3A_105], %swap3A_108 {strides = array<i32>} : memref<512xf32, #tpu.memory_space<vmem>>, vector<16xf32>,
    %broadcast_in_dim3A_109 = arith.constant 0.000000e+00 : f32
    %broadcast_in_dim3A_110 = vector.broadcast %broadcast_in_dim3A_109 : f32 to vector<16xf32>
    %swap3A_111 = arith.constant 160 : index
    %swap3A_112 = tpu.vector_load %arg9[%swap3A_111] {strides = array<i32>} : memref<512xf32, #tpu.memory_space<vmem>>, vector<16xf32>,
    %swap3A_113 = vector.shape_cast %swap3A_112 : vector<16xf32> to vector<16xf32>
    %swap3A_114 = vector.shape_cast %broadcast_in_dim3A_110 : vector<16xf32> to vector<16xf32>
    tpu.vector_store %arg9[%swap3A_111], %swap3A_114 {strides = array<i32>} : memref<512xf32, #tpu.memory_space<vmem>>, vector<16xf32>,
    %broadcast_in_dim3A_115 = arith.constant 0.000000e+00 : f32
    %broadcast_in_dim3A_116 = vector.broadcast %broadcast_in_dim3A_115 : f32 to vector<16xf32>
    %swap3A_117 = arith.constant 176 : index
    %swap3A_118 = tpu.vector_load %arg9[%swap3A_117] {strides = array<i32>} : memref<512xf32, #tpu.memory_space<vmem>>, vector<16xf32>,
    %swap3A_119 = vector.shape_cast %swap3A_118 : vector<16xf32> to vector<16xf32>
    %swap3A_120 = vector.shape_cast %broadcast_in_dim3A_116 : vector<16xf32> to vector<16xf32>
    tpu.vector_store %arg9[%swap3A_117], %swap3A_120 {strides = array<i32>} : memref<512xf32, #tpu.memory_space<vmem>>, vector<16xf32>,
    %broadcast_in_dim3A_121 = arith.constant 0.000000e+00 : f32
    %broadcast_in_dim3A_122 = vector.broadcast %broadcast_in_dim3A_121 : f32 to vector<16xf32>
    %swap3A_123 = arith.constant 192 : index
    %swap3A_124 = tpu.vector_load %arg9[%swap3A_123] {strides = array<i32>} : memref<512xf32, #tpu.memory_space<vmem>>, vector<16xf32>,
    %swap3A_125 = vector.shape_cast %swap3A_124 : vector<16xf32> to vector<16xf32>
    %swap3A_126 = vector.shape_cast %broadcast_in_dim3A_122 : vector<16xf32> to vector<16xf32>
    tpu.vector_store %arg9[%swap3A_123], %swap3A_126 {strides = array<i32>} : memref<512xf32, #tpu.memory_space<vmem>>, vector<16xf32>,
    %broadcast_in_dim3A_127 = arith.constant 0.000000e+00 : f32
    %broadcast_in_dim3A_128 = vector.broadcast %broadcast_in_dim3A_127 : f32 to vector<16xf32>
    %swap3A_129 = arith.constant 208 : index
    %swap3A_130 = tpu.vector_load %arg9[%swap3A_129] {strides = array<i32>} : memref<512xf32, #tpu.memory_space<vmem>>, vector<16xf32>,
    %swap3A_131 = vector.shape_cast %swap3A_130 : vector<16xf32> to vector<16xf32>
    %swap3A_132 = vector.shape_cast %broadcast_in_dim3A_128 : vector<16xf32> to vector<16xf32>
    tpu.vector_store %arg9[%swap3A_129], %swap3A_132 {strides = array<i32>} : memref<512xf32, #tpu.memory_space<vmem>>, vector<16xf32>,
    %broadcast_in_dim3A_133 = arith.constant 0.000000e+00 : f32
    %broadcast_in_dim3A_134 = vector.broadcast %broadcast_in_dim3A_133 : f32 to vector<16xf32>
    %swap3A_135 = arith.constant 224 : index
    %swap3A_136 = tpu.vector_load %arg9[%swap3A_135] {strides = array<i32>} : memref<512xf32, #tpu.memory_space<vmem>>, vector<16xf32>,
    %swap3A_137 = vector.shape_cast %swap3A_136 : vector<16xf32> to vector<16xf32>
    %swap3A_138 = vector.shape_cast %broadcast_in_dim3A_134 : vector<16xf32> to vector<16xf32>
    tpu.vector_store %arg9[%swap3A_135], %swap3A_138 {strides = array<i32>} : memref<512xf32, #tpu.memory_space<vmem>>, vector<16xf32>,
    %broadcast_in_dim3A_139 = arith.constant 0.000000e+00 : f32
    %broadcast_in_dim3A_140 = vector.broadcast %broadcast_in_dim3A_139 : f32 to vector<16xf32>
    %swap3A_141 = arith.constant 240 : index
    %swap3A_142 = tpu.vector_load %arg9[%swap3A_141] {strides = array<i32>} : memref<512xf32, #tpu.memory_space<vmem>>, vector<16xf32>,
    %swap3A_143 = vector.shape_cast %swap3A_142 : vector<16xf32> to vector<16xf32>
    %swap3A_144 = vector.shape_cast %broadcast_in_dim3A_140 : vector<16xf32> to vector<16xf32>
    tpu.vector_store %arg9[%swap3A_141], %swap3A_144 {strides = array<i32>} : memref<512xf32, #tpu.memory_space<vmem>>, vector<16xf32>,
    %broadcast_in_dim3A_145 = arith.constant 0.000000e+00 : f32
    %broadcast_in_dim3A_146 = vector.broadcast %broadcast_in_dim3A_145 : f32 to vector<16xf32>
    %swap3A_147 = arith.constant 256 : index
    %swap3A_148 = tpu.vector_load %arg9[%swap3A_147] {strides = array<i32>} : memref<512xf32, #tpu.memory_space<vmem>>, vector<16xf32>,
    %swap3A_149 = vector.shape_cast %swap3A_148 : vector<16xf32> to vector<16xf32>
    %swap3A_150 = vector.shape_cast %broadcast_in_dim3A_146 : vector<16xf32> to vector<16xf32>
    tpu.vector_store %arg9[%swap3A_147], %swap3A_150 {strides = array<i32>} : memref<512xf32, #tpu.memory_space<vmem>>, vector<16xf32>,
    %broadcast_in_dim3A_151 = arith.constant 0.000000e+00 : f32
    %broadcast_in_dim3A_152 = vector.broadcast %broadcast_in_dim3A_151 : f32 to vector<16xf32>
    %swap3A_153 = arith.constant 272 : index
    %swap3A_154 = tpu.vector_load %arg9[%swap3A_153] {strides = array<i32>} : memref<512xf32, #tpu.memory_space<vmem>>, vector<16xf32>,
    %swap3A_155 = vector.shape_cast %swap3A_154 : vector<16xf32> to vector<16xf32>
    %swap3A_156 = vector.shape_cast %broadcast_in_dim3A_152 : vector<16xf32> to vector<16xf32>
    tpu.vector_store %arg9[%swap3A_153], %swap3A_156 {strides = array<i32>} : memref<512xf32, #tpu.memory_space<vmem>>, vector<16xf32>,
    %broadcast_in_dim3A_157 = arith.constant 0.000000e+00 : f32
    %broadcast_in_dim3A_158 = vector.broadcast %broadcast_in_dim3A_157 : f32 to vector<16xf32>
    %swap3A_159 = arith.constant 288 : index
    %swap3A_160 = tpu.vector_load %arg9[%swap3A_159] {strides = array<i32>} : memref<512xf32, #tpu.memory_space<vmem>>, vector<16xf32>,
    %swap3A_161 = vector.shape_cast %swap3A_160 : vector<16xf32> to vector<16xf32>
    %swap3A_162 = vector.shape_cast %broadcast_in_dim3A_158 : vector<16xf32> to vector<16xf32>
    tpu.vector_store %arg9[%swap3A_159], %swap3A_162 {strides = array<i32>} : memref<512xf32, #tpu.memory_space<vmem>>, vector<16xf32>,
    %broadcast_in_dim3A_163 = arith.constant 0.000000e+00 : f32
    %broadcast_in_dim3A_164 = vector.broadcast %broadcast_in_dim3A_163 : f32 to vector<16xf32>
    %swap3A_165 = arith.constant 304 : index
    %swap3A_166 = tpu.vector_load %arg9[%swap3A_165] {strides = array<i32>} : memref<512xf32, #tpu.memory_space<vmem>>, vector<16xf32>,
    %swap3A_167 = vector.shape_cast %swap3A_166 : vector<16xf32> to vector<16xf32>
    %swap3A_168 = vector.shape_cast %broadcast_in_dim3A_164 : vector<16xf32> to vector<16xf32>
    tpu.vector_store %arg9[%swap3A_165], %swap3A_168 {strides = array<i32>} : memref<512xf32, #tpu.memory_space<vmem>>, vector<16xf32>,
    %broadcast_in_dim3A_169 = arith.constant 0.000000e+00 : f32
    %broadcast_in_dim3A_170 = vector.broadcast %broadcast_in_dim3A_169 : f32 to vector<16xf32>
    %swap3A_171 = arith.constant 320 : index
    %swap3A_172 = tpu.vector_load %arg9[%swap3A_171] {strides = array<i32>} : memref<512xf32, #tpu.memory_space<vmem>>, vector<16xf32>,
    %swap3A_173 = vector.shape_cast %swap3A_172 : vector<16xf32> to vector<16xf32>
    %swap3A_174 = vector.shape_cast %broadcast_in_dim3A_170 : vector<16xf32> to vector<16xf32>
    tpu.vector_store %arg9[%swap3A_171], %swap3A_174 {strides = array<i32>} : memref<512xf32, #tpu.memory_space<vmem>>, vector<16xf32>,
    %broadcast_in_dim3A_175 = arith.constant 0.000000e+00 : f32
    %broadcast_in_dim3A_176 = vector.broadcast %broadcast_in_dim3A_175 : f32 to vector<16xf32>
    %swap3A_177 = arith.constant 336 : index
    %swap3A_178 = tpu.vector_load %arg9[%swap3A_177] {strides = array<i32>} : memref<512xf32, #tpu.memory_space<vmem>>, vector<16xf32>,
    %swap3A_179 = vector.shape_cast %swap3A_178 : vector<16xf32> to vector<16xf32>
    %swap3A_180 = vector.shape_cast %broadcast_in_dim3A_176 : vector<16xf32> to vector<16xf32>
    tpu.vector_store %arg9[%swap3A_177], %swap3A_180 {strides = array<i32>} : memref<512xf32, #tpu.memory_space<vmem>>, vector<16xf32>,
    %broadcast_in_dim3A_181 = arith.constant 0.000000e+00 : f32
    %broadcast_in_dim3A_182 = vector.broadcast %broadcast_in_dim3A_181 : f32 to vector<16xf32>
    %swap3A_183 = arith.constant 352 : index
    %swap3A_184 = tpu.vector_load %arg9[%swap3A_183] {strides = array<i32>} : memref<512xf32, #tpu.memory_space<vmem>>, vector<16xf32>,
    %swap3A_185 = vector.shape_cast %swap3A_184 : vector<16xf32> to vector<16xf32>
    %swap3A_186 = vector.shape_cast %broadcast_in_dim3A_182 : vector<16xf32> to vector<16xf32>
    tpu.vector_store %arg9[%swap3A_183], %swap3A_186 {strides = array<i32>} : memref<512xf32, #tpu.memory_space<vmem>>, vector<16xf32>,
    %broadcast_in_dim3A_187 = arith.constant 0.000000e+00 : f32
    %broadcast_in_dim3A_188 = vector.broadcast %broadcast_in_dim3A_187 : f32 to vector<16xf32>
    %swap3A_189 = arith.constant 368 : index
    %swap3A_190 = tpu.vector_load %arg9[%swap3A_189] {strides = array<i32>} : memref<512xf32, #tpu.memory_space<vmem>>, vector<16xf32>,
    %swap3A_191 = vector.shape_cast %swap3A_190 : vector<16xf32> to vector<16xf32>
    %swap3A_192 = vector.shape_cast %broadcast_in_dim3A_188 : vector<16xf32> to vector<16xf32>
    tpu.vector_store %arg9[%swap3A_189], %swap3A_192 {strides = array<i32>} : memref<512xf32, #tpu.memory_space<vmem>>, vector<16xf32>,
    %broadcast_in_dim3A_193 = arith.constant 0.000000e+00 : f32
    %broadcast_in_dim3A_194 = vector.broadcast %broadcast_in_dim3A_193 : f32 to vector<16xf32>
    %swap3A_195 = arith.constant 384 : index
    %swap3A_196 = tpu.vector_load %arg9[%swap3A_195] {strides = array<i32>} : memref<512xf32, #tpu.memory_space<vmem>>, vector<16xf32>,
    %swap3A_197 = vector.shape_cast %swap3A_196 : vector<16xf32> to vector<16xf32>
    %swap3A_198 = vector.shape_cast %broadcast_in_dim3A_194 : vector<16xf32> to vector<16xf32>
    tpu.vector_store %arg9[%swap3A_195], %swap3A_198 {strides = array<i32>} : memref<512xf32, #tpu.memory_space<vmem>>, vector<16xf32>,
    %broadcast_in_dim3A_199 = arith.constant 0.000000e+00 : f32
    %broadcast_in_dim3A_200 = vector.broadcast %broadcast_in_dim3A_199 : f32 to vector<16xf32>
    %swap3A_201 = arith.constant 400 : index
    %swap3A_202 = tpu.vector_load %arg9[%swap3A_201] {strides = array<i32>} : memref<512xf32, #tpu.memory_space<vmem>>, vector<16xf32>,
    %swap3A_203 = vector.shape_cast %swap3A_202 : vector<16xf32> to vector<16xf32>
    %swap3A_204 = vector.shape_cast %broadcast_in_dim3A_200 : vector<16xf32> to vector<16xf32>
    tpu.vector_store %arg9[%swap3A_201], %swap3A_204 {strides = array<i32>} : memref<512xf32, #tpu.memory_space<vmem>>, vector<16xf32>,
    %broadcast_in_dim3A_205 = arith.constant 0.000000e+00 : f32
    %broadcast_in_dim3A_206 = vector.broadcast %broadcast_in_dim3A_205 : f32 to vector<16xf32>
    %swap3A_207 = arith.constant 416 : index
    %swap3A_208 = tpu.vector_load %arg9[%swap3A_207] {strides = array<i32>} : memref<512xf32, #tpu.memory_space<vmem>>, vector<16xf32>,
    %swap3A_209 = vector.shape_cast %swap3A_208 : vector<16xf32> to vector<16xf32>
    %swap3A_210 = vector.shape_cast %broadcast_in_dim3A_206 : vector<16xf32> to vector<16xf32>
    tpu.vector_store %arg9[%swap3A_207], %swap3A_210 {strides = array<i32>} : memref<512xf32, #tpu.memory_space<vmem>>, vector<16xf32>,
    %broadcast_in_dim3A_211 = arith.constant 0.000000e+00 : f32
    %broadcast_in_dim3A_212 = vector.broadcast %broadcast_in_dim3A_211 : f32 to vector<16xf32>
    %swap3A_213 = arith.constant 432 : index
    %swap3A_214 = tpu.vector_load %arg9[%swap3A_213] {strides = array<i32>} : memref<512xf32, #tpu.memory_space<vmem>>, vector<16xf32>,
    %swap3A_215 = vector.shape_cast %swap3A_214 : vector<16xf32> to vector<16xf32>
    %swap3A_216 = vector.shape_cast %broadcast_in_dim3A_212 : vector<16xf32> to vector<16xf32>
    tpu.vector_store %arg9[%swap3A_213], %swap3A_216 {strides = array<i32>} : memref<512xf32, #tpu.memory_space<vmem>>, vector<16xf32>,
    %broadcast_in_dim3A_217 = arith.constant 0.000000e+00 : f32
    %broadcast_in_dim3A_218 = vector.broadcast %broadcast_in_dim3A_217 : f32 to vector<16xf32>
    %swap3A_219 = arith.constant 448 : index
    %swap3A_220 = tpu.vector_load %arg9[%swap3A_219] {strides = array<i32>} : memref<512xf32, #tpu.memory_space<vmem>>, vector<16xf32>,
    %swap3A_221 = vector.shape_cast %swap3A_220 : vector<16xf32> to vector<16xf32>
    %swap3A_222 = vector.shape_cast %broadcast_in_dim3A_218 : vector<16xf32> to vector<16xf32>
    tpu.vector_store %arg9[%swap3A_219], %swap3A_222 {strides = array<i32>} : memref<512xf32, #tpu.memory_space<vmem>>, vector<16xf32>,
    %broadcast_in_dim3A_223 = arith.constant 0.000000e+00 : f32
    %broadcast_in_dim3A_224 = vector.broadcast %broadcast_in_dim3A_223 : f32 to vector<16xf32>
    %swap3A_225 = arith.constant 464 : index
    %swap3A_226 = tpu.vector_load %arg9[%swap3A_225] {strides = array<i32>} : memref<512xf32, #tpu.memory_space<vmem>>, vector<16xf32>,
    %swap3A_227 = vector.shape_cast %swap3A_226 : vector<16xf32> to vector<16xf32>
    %swap3A_228 = vector.shape_cast %broadcast_in_dim3A_224 : vector<16xf32> to vector<16xf32>
    tpu.vector_store %arg9[%swap3A_225], %swap3A_228 {strides = array<i32>} : memref<512xf32, #tpu.memory_space<vmem>>, vector<16xf32>,
    %broadcast_in_dim3A_229 = arith.constant 0.000000e+00 : f32
    %broadcast_in_dim3A_230 = vector.broadcast %broadcast_in_dim3A_229 : f32 to vector<16xf32>
    %swap3A_231 = arith.constant 480 : index
    %swap3A_232 = tpu.vector_load %arg9[%swap3A_231] {strides = array<i32>} : memref<512xf32, #tpu.memory_space<vmem>>, vector<16xf32>,
    %swap3A_233 = vector.shape_cast %swap3A_232 : vector<16xf32> to vector<16xf32>
    %swap3A_234 = vector.shape_cast %broadcast_in_dim3A_230 : vector<16xf32> to vector<16xf32>
    tpu.vector_store %arg9[%swap3A_231], %swap3A_234 {strides = array<i32>} : memref<512xf32, #tpu.memory_space<vmem>>, vector<16xf32>,
    %broadcast_in_dim3A_235 = arith.constant 0.000000e+00 : f32
    %broadcast_in_dim3A_236 = vector.broadcast %broadcast_in_dim3A_235 : f32 to vector<16xf32>
    %swap3A_237 = arith.constant 496 : index
    %swap3A_238 = tpu.vector_load %arg9[%swap3A_237] {strides = array<i32>} : memref<512xf32, #tpu.memory_space<vmem>>, vector<16xf32>,
    %swap3A_239 = vector.shape_cast %swap3A_238 : vector<16xf32> to vector<16xf32>
    %swap3A_240 = vector.shape_cast %broadcast_in_dim3A_236 : vector<16xf32> to vector<16xf32>
    tpu.vector_store %arg9[%swap3A_237], %swap3A_240 {strides = array<i32>} : memref<512xf32, #tpu.memory_space<vmem>>, vector<16xf32>,
    %mul3A_241 = arith.constant 512 : i32
    %mul3A_242 = arith.muli %arg1, %mul3A_241 : i32
    "tpu.region"() ({
      %run_scoped3A_279 = tpu.sem_alloc : memref<!tpu.dma_semaphore, #tpu.memory_space<semaphore_mem>>
      %dma_start3A_280 = tpu.memref_slice %arg10[%mul3A_242] : memref<8192xf32, #tpu.memory_space<vmem_shared>> -> memref<512xf32, #tpu.memory_space<vmem_shared>>
      %dma_start3A_281 = tpu.memref_slice %arg10[%mul3A_242] : memref<8192xf32, #tpu.memory_space<vmem_shared>> -> memref<512xf32, #tpu.memory_space<vmem_shared>>
      tpu.enqueue_dma source(%arg9 : memref<512xf32, #tpu.memory_space<vmem>>) target(%dma_start3A_281 : memref<512xf32, #tpu.memory_space<vmem_shared>>) target_semaphore(%run_scoped3A_279 : memref<!tpu.dma_semaphore, #tpu.memory_space<semaphore_mem>>)
      %dma_wait3A_282 = tpu.memref_slice %arg10[%mul3A_242] : memref<8192xf32, #tpu.memory_space<vmem_shared>> -> memref<512xf32, #tpu.memory_space<vmem_shared>>
      %dma_wait3A_283 = tpu.memref_slice %arg10[%mul3A_242] : memref<8192xf32, #tpu.memory_space<vmem_shared>> -> memref<512xf32, #tpu.memory_space<vmem_shared>>
      tpu.wait_dma2 semaphore(%run_scoped3A_279 : memref<!tpu.dma_semaphore, #tpu.memory_space<semaphore_mem>>) src(%arg9 : memref<512xf32, #tpu.memory_space<vmem>>) dst(%dma_wait3A_283 : memref<512xf32, #tpu.memory_space<vmem_shared>>)
      tpu.yield
    }) : () -> ()
    %mul3A_243 = arith.constant 2 : i32
    %mul3A_244 = arith.muli %add3A, %mul3A_243 : i32
    "tpu.region"() ({
      %run_scoped3A_279 = tpu.sem_alloc : memref<!tpu.dma_semaphore, #tpu.memory_space<semaphore_mem>>
      %dma_start3A_280 = arith.constant 0 : i32
      %dma_start3A_281 = tpu.memref_slice %arg3[%mul3A_244, %dma_start3A_280] : memref<64x128xi32, #tpu.memory_space<hbm>> -> memref<2x128xi32, #tpu.memory_space<hbm>>
      %dma_start3A_282 = arith.constant 0 : i32
      %dma_start3A_283 = tpu.memref_slice %arg3[%mul3A_244, %dma_start3A_282] : memref<64x128xi32, #tpu.memory_space<hbm>> -> memref<2x128xi32, #tpu.memory_space<hbm>>
      tpu.enqueue_dma source(%dma_start3A_283 : memref<2x128xi32, #tpu.memory_space<hbm>>) target(%arg6 : memref<2x128xi32, #tpu.memory_space<vmem>>) target_semaphore(%run_scoped3A_279 : memref<!tpu.dma_semaphore, #tpu.memory_space<semaphore_mem>>)
      %dma_wait3A_284 = arith.constant 0 : i32
      %dma_wait3A_285 = tpu.memref_slice %arg3[%mul3A_244, %dma_wait3A_284] : memref<64x128xi32, #tpu.memory_space<hbm>> -> memref<2x128xi32, #tpu.memory_space<hbm>>
      %dma_wait3A_286 = arith.constant 0 : i32
      %dma_wait3A_287 = tpu.memref_slice %arg3[%mul3A_244, %dma_wait3A_286] : memref<64x128xi32, #tpu.memory_space<hbm>> -> memref<2x128xi32, #tpu.memory_space<hbm>>
      tpu.wait_dma2 semaphore(%run_scoped3A_279 : memref<!tpu.dma_semaphore, #tpu.memory_space<semaphore_mem>>) src(%dma_wait3A_287 : memref<2x128xi32, #tpu.memory_space<hbm>>) dst(%arg6 : memref<2x128xi32, #tpu.memory_space<vmem>>)
      tpu.yield
    }) : () -> ()
    %barrier3A = arith.constant 0 : index
    tpu.barrier barrier_id(%barrier3A)
    %dma_start3A = arith.constant 0 : i32
    %dma_start3A_245 = arith.constant 0 : i32
    %dma_start3A_246 = tpu.memref_slice %arg6[%dma_start3A, %dma_start3A_245] : memref<2x128xi32, #tpu.memory_space<vmem>> -> memref<1x128xi32, #tpu.memory_space<vmem>>
    %dma_start3A_247 = tpu.memref_squeeze %dma_start3A_246 : memref<1x128xi32, #tpu.memory_space<vmem>> -> memref<128xi32, #tpu.memory_space<vmem>>
    %dma_start3A_248 = arith.constant 0 : i32
    %dma_start3A_249 = arith.constant 0 : i32
    %dma_start3A_250 = tpu.memref_slice %arg2[%dma_start3A_248, %dma_start3A_249] : memref<8192x128xf32, #tpu.memory_space<hbm>> -> memref<8192x128xf32, #tpu.memory_space<hbm>>
    tpu.enqueue_indirect_dma source(%dma_start3A_250 : memref<8192x128xf32, #tpu.memory_space<hbm>>) target(%arg7 : memref<128x128xf32, #tpu.memory_space<vmem>>) offsets(%dma_start3A_247 : memref<128xi32, #tpu.memory_space<vmem>>) semaphore(%arg11 : memref<!tpu.dma_semaphore, #tpu.memory_space<semaphore_mem>>)
    %dma_wait3A = arith.constant 0 : i32
    %dma_wait3A_251 = arith.constant 0 : i32
    %dma_wait3A_252 = tpu.memref_slice %arg6[%dma_wait3A, %dma_wait3A_251] : memref<2x128xi32, #tpu.memory_space<vmem>> -> memref<1x128xi32, #tpu.memory_space<vmem>>
    %dma_wait3A_253 = tpu.memref_squeeze %dma_wait3A_252 : memref<1x128xi32, #tpu.memory_space<vmem>> -> memref<128xi32, #tpu.memory_space<vmem>>
    %dma_wait3A_254 = arith.constant 0 : i32
    %dma_wait3A_255 = arith.constant 0 : i32
    %dma_wait3A_256 = tpu.memref_slice %arg2[%dma_wait3A_254, %dma_wait3A_255] : memref<8192x128xf32, #tpu.memory_space<hbm>> -> memref<8192x128xf32, #tpu.memory_space<hbm>>
    tpu.wait_indirect_dma semaphore(%arg11 : memref<!tpu.dma_semaphore, #tpu.memory_space<semaphore_mem>>) src(%dma_wait3A_256 : memref<8192x128xf32, #tpu.memory_space<hbm>>) dst(%arg7 : memref<128x128xf32, #tpu.memory_space<vmem>>)
    %add3A_257 = arith.constant 0 : i32
    %add3A_258 = arith.addi %mul3A_2, %add3A_257 : i32
    "tpu.region"() ({
      %run_scoped3A_279 = tpu.sem_alloc : memref<!tpu.dma_semaphore, #tpu.memory_space<semaphore_mem>>
      %dma_start3A_280 = arith.constant 0 : i32
      %dma_start3A_281 = tpu.memref_slice %arg4[%add3A_258, %dma_start3A_280] : memref<8192x128xf32, #tpu.memory_space<hbm>> -> memref<128x128xf32, #tpu.memory_space<hbm>>
      %dma_start3A_282 = arith.constant 0 : i32
      %dma_start3A_283 = tpu.memref_slice %arg4[%add3A_258, %dma_start3A_282] : memref<8192x128xf32, #tpu.memory_space<hbm>> -> memref<128x128xf32, #tpu.memory_space<hbm>>
      tpu.enqueue_dma source(%arg7 : memref<128x128xf32, #tpu.memory_space<vmem>>) target(%dma_start3A_283 : memref<128x128xf32, #tpu.memory_space<hbm>>) target_semaphore(%run_scoped3A_279 : memref<!tpu.dma_semaphore, #tpu.memory_space<semaphore_mem>>)
      %dma_wait3A_284 = arith.constant 0 : i32
      %dma_wait3A_285 = tpu.memref_slice %arg4[%add3A_258, %dma_wait3A_284] : memref<8192x128xf32, #tpu.memory_space<hbm>> -> memref<128x128xf32, #tpu.memory_space<hbm>>
      %dma_wait3A_286 = arith.constant 0 : i32
      %dma_wait3A_287 = tpu.memref_slice %arg4[%add3A_258, %dma_wait3A_286] : memref<8192x128xf32, #tpu.memory_space<hbm>> -> memref<128x128xf32, #tpu.memory_space<hbm>>
      tpu.wait_dma2 semaphore(%run_scoped3A_279 : memref<!tpu.dma_semaphore, #tpu.memory_space<semaphore_mem>>) src(%arg7 : memref<128x128xf32, #tpu.memory_space<vmem>>) dst(%dma_wait3A_287 : memref<128x128xf32, #tpu.memory_space<hbm>>)
      tpu.yield
    }) : () -> ()
    %run_scoped3A = arith.constant 0 : i32
    "tpu.region"() ({
      %run_scoped3A_279 = tpu.sem_alloc : memref<!tpu.dma_semaphore, #tpu.memory_space<semaphore_mem>>
      %dma_start3A_280 = arith.constant 0 : i32
      %dma_start3A_281 = tpu.memref_slice %arg6[%run_scoped3A, %dma_start3A_280] : memref<2x128xi32, #tpu.memory_space<vmem>> -> memref<1x128xi32, #tpu.memory_space<vmem>>
      %dma_start3A_282 = tpu.memref_squeeze %dma_start3A_281 : memref<1x128xi32, #tpu.memory_space<vmem>> -> memref<128xi32, #tpu.memory_space<vmem>>
      %dma_start3A_283 = arith.constant 0 : i32
      %dma_start3A_284 = tpu.memref_slice %arg10[%dma_start3A_283] : memref<8192xf32, #tpu.memory_space<vmem_shared>> -> memref<8192xf32, #tpu.memory_space<vmem_shared>>
      tpu.enqueue_indirect_dma source(%arg8 : memref<128xf32, #tpu.memory_space<vmem>>) target(%dma_start3A_284 : memref<8192xf32, #tpu.memory_space<vmem_shared>>) offsets(%dma_start3A_282 : memref<128xi32, #tpu.memory_space<vmem>>) semaphore(%run_scoped3A_279 : memref<!tpu.dma_semaphore, #tpu.memory_space<semaphore_mem>>) {add = true}
      %dma_wait3A_285 = arith.constant 0 : i32
      %dma_wait3A_286 = tpu.memref_slice %arg6[%run_scoped3A, %dma_wait3A_285] : memref<2x128xi32, #tpu.memory_space<vmem>> -> memref<1x128xi32, #tpu.memory_space<vmem>>
      %dma_wait3A_287 = tpu.memref_squeeze %dma_wait3A_286 : memref<1x128xi32, #tpu.memory_space<vmem>> -> memref<128xi32, #tpu.memory_space<vmem>>
      %dma_wait3A_288 = arith.constant 0 : i32
      %dma_wait3A_289 = tpu.memref_slice %arg10[%dma_wait3A_288] : memref<8192xf32, #tpu.memory_space<vmem_shared>> -> memref<8192xf32, #tpu.memory_space<vmem_shared>>
      tpu.wait_indirect_dma semaphore(%run_scoped3A_279 : memref<!tpu.dma_semaphore, #tpu.memory_space<semaphore_mem>>) src(%arg8 : memref<128xf32, #tpu.memory_space<vmem>>) dst(%dma_wait3A_289 : memref<8192xf32, #tpu.memory_space<vmem_shared>>)
      tpu.yield
    }) : () -> ()
    %dma_start3A_259 = arith.constant 1 : i32
    %dma_start3A_260 = arith.constant 0 : i32
    %dma_start3A_261 = tpu.memref_slice %arg6[%dma_start3A_259, %dma_start3A_260] : memref<2x128xi32, #tpu.memory_space<vmem>> -> memref<1x128xi32, #tpu.memory_space<vmem>>
    %dma_start3A_262 = tpu.memref_squeeze %dma_start3A_261 : memref<1x128xi32, #tpu.memory_space<vmem>> -> memref<128xi32, #tpu.memory_space<vmem>>
    %dma_start3A_263 = arith.constant 0 : i32
    %dma_start3A_264 = arith.constant 0 : i32
    %dma_start3A_265 = tpu.memref_slice %arg2[%dma_start3A_263, %dma_start3A_264] : memref<8192x128xf32, #tpu.memory_space<hbm>> -> memref<8192x128xf32, #tpu.memory_space<hbm>>
    tpu.enqueue_indirect_dma source(%dma_start3A_265 : memref<8192x128xf32, #tpu.memory_space<hbm>>) target(%arg7 : memref<128x128xf32, #tpu.memory_space<vmem>>) offsets(%dma_start3A_262 : memref<128xi32, #tpu.memory_space<vmem>>) semaphore(%arg11 : memref<!tpu.dma_semaphore, #tpu.memory_space<semaphore_mem>>)
    %dma_wait3A_266 = arith.constant 1 : i32
    %dma_wait3A_267 = arith.constant 0 : i32
    %dma_wait3A_268 = tpu.memref_slice %arg6[%dma_wait3A_266, %dma_wait3A_267] : memref<2x128xi32, #tpu.memory_space<vmem>> -> memref<1x128xi32, #tpu.memory_space<vmem>>
    %dma_wait3A_269 = tpu.memref_squeeze %dma_wait3A_268 : memref<1x128xi32, #tpu.memory_space<vmem>> -> memref<128xi32, #tpu.memory_space<vmem>>
    %dma_wait3A_270 = arith.constant 0 : i32
    %dma_wait3A_271 = arith.constant 0 : i32
    %dma_wait3A_272 = tpu.memref_slice %arg2[%dma_wait3A_270, %dma_wait3A_271] : memref<8192x128xf32, #tpu.memory_space<hbm>> -> memref<8192x128xf32, #tpu.memory_space<hbm>>
    tpu.wait_indirect_dma semaphore(%arg11 : memref<!tpu.dma_semaphore, #tpu.memory_space<semaphore_mem>>) src(%dma_wait3A_272 : memref<8192x128xf32, #tpu.memory_space<hbm>>) dst(%arg7 : memref<128x128xf32, #tpu.memory_space<vmem>>)
    %add3A_273 = arith.constant 128 : i32
    %add3A_274 = arith.addi %mul3A_2, %add3A_273 : i32
    "tpu.region"() ({
      %run_scoped3A_279 = tpu.sem_alloc : memref<!tpu.dma_semaphore, #tpu.memory_space<semaphore_mem>>
      %dma_start3A_280 = arith.constant 0 : i32
      %dma_start3A_281 = tpu.memref_slice %arg4[%add3A_274, %dma_start3A_280] : memref<8192x128xf32, #tpu.memory_space<hbm>> -> memref<128x128xf32, #tpu.memory_space<hbm>>
      %dma_start3A_282 = arith.constant 0 : i32
      %dma_start3A_283 = tpu.memref_slice %arg4[%add3A_274, %dma_start3A_282] : memref<8192x128xf32, #tpu.memory_space<hbm>> -> memref<128x128xf32, #tpu.memory_space<hbm>>
      tpu.enqueue_dma source(%arg7 : memref<128x128xf32, #tpu.memory_space<vmem>>) target(%dma_start3A_283 : memref<128x128xf32, #tpu.memory_space<hbm>>) target_semaphore(%run_scoped3A_279 : memref<!tpu.dma_semaphore, #tpu.memory_space<semaphore_mem>>)
      %dma_wait3A_284 = arith.constant 0 : i32
      %dma_wait3A_285 = tpu.memref_slice %arg4[%add3A_274, %dma_wait3A_284] : memref<8192x128xf32, #tpu.memory_space<hbm>> -> memref<128x128xf32, #tpu.memory_space<hbm>>
      %dma_wait3A_286 = arith.constant 0 : i32
      %dma_wait3A_287 = tpu.memref_slice %arg4[%add3A_274, %dma_wait3A_286] : memref<8192x128xf32, #tpu.memory_space<hbm>> -> memref<128x128xf32, #tpu.memory_space<hbm>>
      tpu.wait_dma2 semaphore(%run_scoped3A_279 : memref<!tpu.dma_semaphore, #tpu.memory_space<semaphore_mem>>) src(%arg7 : memref<128x128xf32, #tpu.memory_space<vmem>>) dst(%dma_wait3A_287 : memref<128x128xf32, #tpu.memory_space<hbm>>)
      tpu.yield
    }) : () -> ()
    %run_scoped3A_275 = arith.constant 1 : i32
    "tpu.region"() ({
      %run_scoped3A_279 = tpu.sem_alloc : memref<!tpu.dma_semaphore, #tpu.memory_space<semaphore_mem>>
      %dma_start3A_280 = arith.constant 0 : i32
      %dma_start3A_281 = tpu.memref_slice %arg6[%run_scoped3A_275, %dma_start3A_280] : memref<2x128xi32, #tpu.memory_space<vmem>> -> memref<1x128xi32, #tpu.memory_space<vmem>>
      %dma_start3A_282 = tpu.memref_squeeze %dma_start3A_281 : memref<1x128xi32, #tpu.memory_space<vmem>> -> memref<128xi32, #tpu.memory_space<vmem>>
      %dma_start3A_283 = arith.constant 0 : i32
      %dma_start3A_284 = tpu.memref_slice %arg10[%dma_start3A_283] : memref<8192xf32, #tpu.memory_space<vmem_shared>> -> memref<8192xf32, #tpu.memory_space<vmem_shared>>
      tpu.enqueue_indirect_dma source(%arg8 : memref<128xf32, #tpu.memory_space<vmem>>) target(%dma_start3A_284 : memref<8192xf32, #tpu.memory_space<vmem_shared>>) offsets(%dma_start3A_282 : memref<128xi32, #tpu.memory_space<vmem>>) semaphore(%run_scoped3A_279 : memref<!tpu.dma_semaphore, #tpu.memory_space<semaphore_mem>>) {add = true}
      %dma_wait3A_285 = arith.constant 0 : i32
      %dma_wait3A_286 = tpu.memref_slice %arg6[%run_scoped3A_275, %dma_wait3A_285] : memref<2x128xi32, #tpu.memory_space<vmem>> -> memref<1x128xi32, #tpu.memory_space<vmem>>
      %dma_wait3A_287 = tpu.memref_squeeze %dma_wait3A_286 : memref<1x128xi32, #tpu.memory_space<vmem>> -> memref<128xi32, #tpu.memory_space<vmem>>
      %dma_wait3A_288 = arith.constant 0 : i32
      %dma_wait3A_289 = tpu.memref_slice %arg10[%dma_wait3A_288] : memref<8192xf32, #tpu.memory_space<vmem_shared>> -> memref<8192xf32, #tpu.memory_space<vmem_shared>>
      tpu.wait_indirect_dma semaphore(%run_scoped3A_279 : memref<!tpu.dma_semaphore, #tpu.memory_space<semaphore_mem>>) src(%arg8 : memref<128xf32, #tpu.memory_space<vmem>>) dst(%dma_wait3A_289 : memref<8192xf32, #tpu.memory_space<vmem_shared>>)
      tpu.yield
    }) : () -> ()
    %barrier3A_276 = arith.constant 0 : index
    tpu.barrier barrier_id(%barrier3A_276)
    %eq3A = arith.constant 0 : i32
    %eq3A_277 = arith.cmpi eq, %arg1, %eq3A : i32
    %convert_element_type3A = arith.extui %eq3A_277 : i1 to i32
    %cond3A = arith.constant 0 : i32
    %cond3A_278 = arith.cmpi ne, %convert_element_type3A, %cond3A : i32
    scf.if %cond3A_278 {
      %mul3A_279 = arith.constant 8192 : i32
      %mul3A_280 = arith.muli %arg0, %mul3A_279 : i32
      "tpu.region"() ({
        %run_scoped3A_281 = tpu.sem_alloc : memref<!tpu.dma_semaphore, #tpu.memory_space<semaphore_mem>>
        %dma_start3A_282 = tpu.memref_slice %arg5[%mul3A_280] : memref<16384xf32, #tpu.memory_space<hbm>> -> memref<8192xf32, #tpu.memory_space<hbm>>
        tpu.enqueue_dma source(%arg10 : memref<8192xf32, #tpu.memory_space<vmem_shared>>) target(%dma_start3A_282 : memref<8192xf32, #tpu.memory_space<hbm>>) target_semaphore(%run_scoped3A_281 : memref<!tpu.dma_semaphore, #tpu.memory_space<semaphore_mem>>)
        %dma_wait3A_283 = tpu.memref_slice %arg5[%mul3A_280] : memref<16384xf32, #tpu.memory_space<hbm>> -> memref<8192xf32, #tpu.memory_space<hbm>>
        tpu.wait_dma2 semaphore(%run_scoped3A_281 : memref<!tpu.dma_semaphore, #tpu.memory_space<semaphore_mem>>) src(%arg10 : memref<8192xf32, #tpu.memory_space<vmem_shared>>) dst(%dma_wait3A_283 : memref<8192xf32, #tpu.memory_space<hbm>>)
        tpu.yield
      }) : () -> ()
    } else {
    }
    return
  }
}

module attributes {stable_mosaic.version = 14 : i64} {
  func.func @_argmax_body(%arg0: i32, %arg1: memref<4096x64xf32, #tpu.memory_space<vmem>>, %arg2: memref<8192x64xf32, #tpu.memory_space<vmem>>, %arg3: memref<4096x1xi32, #tpu.memory_space<vmem>>, %arg4: memref<8192x128xf32, #tpu.memory_space<vmem>>, %arg5: memref<8192x64xf32, #tpu.memory_space<vmem>>) attributes {dimension_semantics = [#tpu.dimension_semantics<arbitrary>], iteration_bounds = array<i64: 2>, scalar_prefetch = 0 : i64, scratch_operands = 1 : i64, tpu.core_type = #tpu.core_type<tc>, window_params = [{transform_indices = @transform_0, window_bounds = array<i64: 4096, 64>}, {pipeline_mode = #tpu.pipeline_mode<synchronous>, transform_indices = @transform_1, window_bounds = array<i64: 8192, 64>}, {transform_indices = @transform_2, window_bounds = array<i64: 4096, 1>}, {pipeline_mode = #tpu.pipeline_mode<synchronous>, transform_indices = @transform_3, window_bounds = array<i64: 8192, 128>}]} {
    %eq3A = arith.constant 0 : i32
    %eq3A_0 = arith.cmpi eq, %arg0, %eq3A : i32
    %convert_element_type3A = arith.extui %eq3A_0 : i1 to i32
    %cond3A = arith.constant 0 : i32
    %cond3A_1 = arith.cmpi ne, %convert_element_type3A, %cond3A : i32
    scf.if %cond3A_1 {
      %get3A_335 = arith.constant 0 : index
      %get3A_336 = arith.constant 0 : index
      %get3A_337 = vector.load %arg2[%get3A_335, %get3A_336] : memref<8192x64xf32, #tpu.memory_space<vmem>>, vector<8192x64xf32>
      %mul3A_338 = arith.mulf %get3A_337, %get3A_337 : vector<8192x64xf32>
      %reduce_sum3A_339 = arith.constant dense<0.000000e+00> : vector<8192xf32>
      %reduce_sum3A_340 = vector.multi_reduction <add>, %mul3A_338, %reduce_sum3A_339 [1] : vector<8192x64xf32> to vector<8192xf32>
      %broadcast_in_dim3A_341 = vector.shape_cast %reduce_sum3A_340 : vector<8192xf32> to vector<8192x1xf32>
      %sqrt3A_342 = math.sqrt %broadcast_in_dim3A_341 : vector<8192x1xf32>
      %max3A_343 = arith.constant 9.99999996E-13 : f32
      %max3A_344 = vector.broadcast %max3A_343 : f32 to vector<8192x1xf32>
      %max3A_345 = arith.maximumf %sqrt3A_342, %max3A_344 : vector<8192x1xf32>
      %div3A_346 = vector.broadcast %max3A_345 : vector<8192x1xf32> to vector<8192x64xf32>
      %div3A_347 = arith.divf %get3A_337, %div3A_346 : vector<8192x64xf32>
      %swap3A_348 = arith.constant 0 : index
      %swap3A_349 = arith.constant 0 : index
      %swap3A_350 = vector.load %arg5[%swap3A_348, %swap3A_349] : memref<8192x64xf32, #tpu.memory_space<vmem>>, vector<8192x64xf32>
      tpu.vector_store %arg5[%swap3A_348, %swap3A_349], %div3A_347 {strides = array<i32>} : memref<8192x64xf32, #tpu.memory_space<vmem>>, vector<8192x64xf32>,
      %swap3A_351 = arith.constant 0 : index
      %swap3A_352 = arith.constant 0 : index
      %swap3A_353 = vector.load %arg4[%swap3A_351, %swap3A_352] : memref<8192x128xf32, #tpu.memory_space<vmem>>, vector<8192x64xf32>
      tpu.vector_store %arg4[%swap3A_351, %swap3A_352], %get3A_337 {strides = array<i32>} : memref<8192x128xf32, #tpu.memory_space<vmem>>, vector<8192x64xf32>,
      %broadcast_in_dim3A_354 = arith.constant 0.000000e+00 : f32
      %broadcast_in_dim3A_355 = vector.broadcast %broadcast_in_dim3A_354 : f32 to vector<8192x64xf32>
      %swap3A_356 = arith.constant 0 : index
      %swap3A_357 = arith.constant 64 : index
      %swap3A_358 = vector.load %arg4[%swap3A_356, %swap3A_357] : memref<8192x128xf32, #tpu.memory_space<vmem>>, vector<8192x64xf32>
      tpu.vector_store %arg4[%swap3A_356, %swap3A_357], %broadcast_in_dim3A_355 {strides = array<i32>} : memref<8192x128xf32, #tpu.memory_space<vmem>>, vector<8192x64xf32>,
    } else {
    }
    %get3A = arith.constant 0 : index
    %get3A_2 = arith.constant 0 : index
    %get3A_3 = vector.load %arg1[%get3A, %get3A_2] : memref<4096x64xf32, #tpu.memory_space<vmem>>, vector<4096x64xf32>
    %mul3A = arith.mulf %get3A_3, %get3A_3 : vector<4096x64xf32>
    %reduce_sum3A = arith.constant dense<0.000000e+00> : vector<4096xf32>
    %reduce_sum3A_4 = vector.multi_reduction <add>, %mul3A, %reduce_sum3A [1] : vector<4096x64xf32> to vector<4096xf32>
    %broadcast_in_dim3A = vector.shape_cast %reduce_sum3A_4 : vector<4096xf32> to vector<4096x1xf32>
    %sqrt3A = math.sqrt %broadcast_in_dim3A : vector<4096x1xf32>
    %max3A = arith.constant 9.99999996E-13 : f32
    %max3A_5 = vector.broadcast %max3A : f32 to vector<4096x1xf32>
    %max3A_6 = arith.maximumf %sqrt3A, %max3A_5 : vector<4096x1xf32>
    %div3A = vector.broadcast %max3A_6 : vector<4096x1xf32> to vector<4096x64xf32>
    %div3A_7 = arith.divf %get3A_3, %div3A : vector<4096x64xf32>
    %get3A_8 = arith.constant 0 : index
    %get3A_9 = arith.constant 0 : index
    %get3A_10 = vector.load %arg5[%get3A_8, %get3A_9] : memref<8192x64xf32, #tpu.memory_space<vmem>>, vector<256x64xf32>
    %dot_general3A = arith.constant dense<0.000000e+00> : vector<4096x256xf32>
    %dot_general3A_11 = tpu.matmul %div3A_7, %get3A_10, %dot_general3A {dimension_numbers = #tpu.dot_dimension_numbers<[1], [1], [0], [0], [0, 0, 1, 0], [], []>, transpose_lhs_hint = false} : vector<4096x64xf32>, vector<256x64xf32>, vector<4096x256xf32> -> vector<4096x256xf32>
    %broadcast_in_dim3A_12 = arith.constant 0 : i32
    %broadcast_in_dim3A_13 = vector.broadcast %broadcast_in_dim3A_12 : i32 to vector<4096x256xi32>
    %get3A_14 = arith.constant 256 : index
    %get3A_15 = arith.constant 0 : index
    %get3A_16 = vector.load %arg5[%get3A_14, %get3A_15] : memref<8192x64xf32, #tpu.memory_space<vmem>>, vector<256x64xf32>
    %dot_general3A_17 = arith.constant dense<0.000000e+00> : vector<4096x256xf32>
    %dot_general3A_18 = tpu.matmul %div3A_7, %get3A_16, %dot_general3A_17 {dimension_numbers = #tpu.dot_dimension_numbers<[1], [1], [0], [0], [0, 0, 1, 0], [], []>, transpose_lhs_hint = false} : vector<4096x64xf32>, vector<256x64xf32>, vector<4096x256xf32> -> vector<4096x256xf32>
    %gt3A = arith.cmpf ogt, %dot_general3A_18, %dot_general3A_11 : vector<4096x256xf32>
    %select_n3A = arith.select %gt3A, %dot_general3A_18, %dot_general3A_11 : vector<4096x256xi1>, vector<4096x256xf32>
    %jit3A = arith.constant 1 : i32
    %broadcast_in_dim3A_19 = vector.broadcast %jit3A : i32 to vector<4096x256xi32>
    %select_n3A_20 = arith.select %gt3A, %broadcast_in_dim3A_19, %broadcast_in_dim3A_13 : vector<4096x256xi1>, vector<4096x256xi32>
    %get3A_21 = arith.constant 512 : index
    %get3A_22 = arith.constant 0 : index
    %get3A_23 = vector.load %arg5[%get3A_21, %get3A_22] : memref<8192x64xf32, #tpu.memory_space<vmem>>, vector<256x64xf32>
    %dot_general3A_24 = arith.constant dense<0.000000e+00> : vector<4096x256xf32>
    %dot_general3A_25 = tpu.matmul %div3A_7, %get3A_23, %dot_general3A_24 {dimension_numbers = #tpu.dot_dimension_numbers<[1], [1], [0], [0], [0, 0, 1, 0], [], []>, transpose_lhs_hint = false} : vector<4096x64xf32>, vector<256x64xf32>, vector<4096x256xf32> -> vector<4096x256xf32>
    %gt3A_26 = arith.cmpf ogt, %dot_general3A_25, %select_n3A : vector<4096x256xf32>
    %select_n3A_27 = arith.select %gt3A_26, %dot_general3A_25, %select_n3A : vector<4096x256xi1>, vector<4096x256xf32>
    %jit3A_28 = arith.constant 2 : i32
    %broadcast_in_dim3A_29 = vector.broadcast %jit3A_28 : i32 to vector<4096x256xi32>
    %select_n3A_30 = arith.select %gt3A_26, %broadcast_in_dim3A_29, %select_n3A_20 : vector<4096x256xi1>, vector<4096x256xi32>
    %get3A_31 = arith.constant 768 : index
    %get3A_32 = arith.constant 0 : index
    %get3A_33 = vector.load %arg5[%get3A_31, %get3A_32] : memref<8192x64xf32, #tpu.memory_space<vmem>>, vector<256x64xf32>
    %dot_general3A_34 = arith.constant dense<0.000000e+00> : vector<4096x256xf32>
    %dot_general3A_35 = tpu.matmul %div3A_7, %get3A_33, %dot_general3A_34 {dimension_numbers = #tpu.dot_dimension_numbers<[1], [1], [0], [0], [0, 0, 1, 0], [], []>, transpose_lhs_hint = false} : vector<4096x64xf32>, vector<256x64xf32>, vector<4096x256xf32> -> vector<4096x256xf32>
    %gt3A_36 = arith.cmpf ogt, %dot_general3A_35, %select_n3A_27 : vector<4096x256xf32>
    %select_n3A_37 = arith.select %gt3A_36, %dot_general3A_35, %select_n3A_27 : vector<4096x256xi1>, vector<4096x256xf32>
    %jit3A_38 = arith.constant 3 : i32
    %broadcast_in_dim3A_39 = vector.broadcast %jit3A_38 : i32 to vector<4096x256xi32>
    %select_n3A_40 = arith.select %gt3A_36, %broadcast_in_dim3A_39, %select_n3A_30 : vector<4096x256xi1>, vector<4096x256xi32>
    %get3A_41 = arith.constant 1024 : index
    %get3A_42 = arith.constant 0 : index
    %get3A_43 = vector.load %arg5[%get3A_41, %get3A_42] : memref<8192x64xf32, #tpu.memory_space<vmem>>, vector<256x64xf32>
    %dot_general3A_44 = arith.constant dense<0.000000e+00> : vector<4096x256xf32>
    %dot_general3A_45 = tpu.matmul %div3A_7, %get3A_43, %dot_general3A_44 {dimension_numbers = #tpu.dot_dimension_numbers<[1], [1], [0], [0], [0, 0, 1, 0], [], []>, transpose_lhs_hint = false} : vector<4096x64xf32>, vector<256x64xf32>, vector<4096x256xf32> -> vector<4096x256xf32>
    %gt3A_46 = arith.cmpf ogt, %dot_general3A_45, %select_n3A_37 : vector<4096x256xf32>
    %select_n3A_47 = arith.select %gt3A_46, %dot_general3A_45, %select_n3A_37 : vector<4096x256xi1>, vector<4096x256xf32>
    %jit3A_48 = arith.constant 4 : i32
    %broadcast_in_dim3A_49 = vector.broadcast %jit3A_48 : i32 to vector<4096x256xi32>
    %select_n3A_50 = arith.select %gt3A_46, %broadcast_in_dim3A_49, %select_n3A_40 : vector<4096x256xi1>, vector<4096x256xi32>
    %get3A_51 = arith.constant 1280 : index
    %get3A_52 = arith.constant 0 : index
    %get3A_53 = vector.load %arg5[%get3A_51, %get3A_52] : memref<8192x64xf32, #tpu.memory_space<vmem>>, vector<256x64xf32>
    %dot_general3A_54 = arith.constant dense<0.000000e+00> : vector<4096x256xf32>
    %dot_general3A_55 = tpu.matmul %div3A_7, %get3A_53, %dot_general3A_54 {dimension_numbers = #tpu.dot_dimension_numbers<[1], [1], [0], [0], [0, 0, 1, 0], [], []>, transpose_lhs_hint = false} : vector<4096x64xf32>, vector<256x64xf32>, vector<4096x256xf32> -> vector<4096x256xf32>
    %gt3A_56 = arith.cmpf ogt, %dot_general3A_55, %select_n3A_47 : vector<4096x256xf32>
    %select_n3A_57 = arith.select %gt3A_56, %dot_general3A_55, %select_n3A_47 : vector<4096x256xi1>, vector<4096x256xf32>
    %jit3A_58 = arith.constant 5 : i32
    %broadcast_in_dim3A_59 = vector.broadcast %jit3A_58 : i32 to vector<4096x256xi32>
    %select_n3A_60 = arith.select %gt3A_56, %broadcast_in_dim3A_59, %select_n3A_50 : vector<4096x256xi1>, vector<4096x256xi32>
    %get3A_61 = arith.constant 1536 : index
    %get3A_62 = arith.constant 0 : index
    %get3A_63 = vector.load %arg5[%get3A_61, %get3A_62] : memref<8192x64xf32, #tpu.memory_space<vmem>>, vector<256x64xf32>
    %dot_general3A_64 = arith.constant dense<0.000000e+00> : vector<4096x256xf32>
    %dot_general3A_65 = tpu.matmul %div3A_7, %get3A_63, %dot_general3A_64 {dimension_numbers = #tpu.dot_dimension_numbers<[1], [1], [0], [0], [0, 0, 1, 0], [], []>, transpose_lhs_hint = false} : vector<4096x64xf32>, vector<256x64xf32>, vector<4096x256xf32> -> vector<4096x256xf32>
    %gt3A_66 = arith.cmpf ogt, %dot_general3A_65, %select_n3A_57 : vector<4096x256xf32>
    %select_n3A_67 = arith.select %gt3A_66, %dot_general3A_65, %select_n3A_57 : vector<4096x256xi1>, vector<4096x256xf32>
    %jit3A_68 = arith.constant 6 : i32
    %broadcast_in_dim3A_69 = vector.broadcast %jit3A_68 : i32 to vector<4096x256xi32>
    %select_n3A_70 = arith.select %gt3A_66, %broadcast_in_dim3A_69, %select_n3A_60 : vector<4096x256xi1>, vector<4096x256xi32>
    %get3A_71 = arith.constant 1792 : index
    %get3A_72 = arith.constant 0 : index
    %get3A_73 = vector.load %arg5[%get3A_71, %get3A_72] : memref<8192x64xf32, #tpu.memory_space<vmem>>, vector<256x64xf32>
    %dot_general3A_74 = arith.constant dense<0.000000e+00> : vector<4096x256xf32>
    %dot_general3A_75 = tpu.matmul %div3A_7, %get3A_73, %dot_general3A_74 {dimension_numbers = #tpu.dot_dimension_numbers<[1], [1], [0], [0], [0, 0, 1, 0], [], []>, transpose_lhs_hint = false} : vector<4096x64xf32>, vector<256x64xf32>, vector<4096x256xf32> -> vector<4096x256xf32>
    %gt3A_76 = arith.cmpf ogt, %dot_general3A_75, %select_n3A_67 : vector<4096x256xf32>
    %select_n3A_77 = arith.select %gt3A_76, %dot_general3A_75, %select_n3A_67 : vector<4096x256xi1>, vector<4096x256xf32>
    %jit3A_78 = arith.constant 7 : i32
    %broadcast_in_dim3A_79 = vector.broadcast %jit3A_78 : i32 to vector<4096x256xi32>
    %select_n3A_80 = arith.select %gt3A_76, %broadcast_in_dim3A_79, %select_n3A_70 : vector<4096x256xi1>, vector<4096x256xi32>
    %get3A_81 = arith.constant 2048 : index
    %get3A_82 = arith.constant 0 : index
    %get3A_83 = vector.load %arg5[%get3A_81, %get3A_82] : memref<8192x64xf32, #tpu.memory_space<vmem>>, vector<256x64xf32>
    %dot_general3A_84 = arith.constant dense<0.000000e+00> : vector<4096x256xf32>
    %dot_general3A_85 = tpu.matmul %div3A_7, %get3A_83, %dot_general3A_84 {dimension_numbers = #tpu.dot_dimension_numbers<[1], [1], [0], [0], [0, 0, 1, 0], [], []>, transpose_lhs_hint = false} : vector<4096x64xf32>, vector<256x64xf32>, vector<4096x256xf32> -> vector<4096x256xf32>
    %gt3A_86 = arith.cmpf ogt, %dot_general3A_85, %select_n3A_77 : vector<4096x256xf32>
    %select_n3A_87 = arith.select %gt3A_86, %dot_general3A_85, %select_n3A_77 : vector<4096x256xi1>, vector<4096x256xf32>
    %jit3A_88 = arith.constant 8 : i32
    %broadcast_in_dim3A_89 = vector.broadcast %jit3A_88 : i32 to vector<4096x256xi32>
    %select_n3A_90 = arith.select %gt3A_86, %broadcast_in_dim3A_89, %select_n3A_80 : vector<4096x256xi1>, vector<4096x256xi32>
    %get3A_91 = arith.constant 2304 : index
    %get3A_92 = arith.constant 0 : index
    %get3A_93 = vector.load %arg5[%get3A_91, %get3A_92] : memref<8192x64xf32, #tpu.memory_space<vmem>>, vector<256x64xf32>
    %dot_general3A_94 = arith.constant dense<0.000000e+00> : vector<4096x256xf32>
    %dot_general3A_95 = tpu.matmul %div3A_7, %get3A_93, %dot_general3A_94 {dimension_numbers = #tpu.dot_dimension_numbers<[1], [1], [0], [0], [0, 0, 1, 0], [], []>, transpose_lhs_hint = false} : vector<4096x64xf32>, vector<256x64xf32>, vector<4096x256xf32> -> vector<4096x256xf32>
    %gt3A_96 = arith.cmpf ogt, %dot_general3A_95, %select_n3A_87 : vector<4096x256xf32>
    %select_n3A_97 = arith.select %gt3A_96, %dot_general3A_95, %select_n3A_87 : vector<4096x256xi1>, vector<4096x256xf32>
    %jit3A_98 = arith.constant 9 : i32
    %broadcast_in_dim3A_99 = vector.broadcast %jit3A_98 : i32 to vector<4096x256xi32>
    %select_n3A_100 = arith.select %gt3A_96, %broadcast_in_dim3A_99, %select_n3A_90 : vector<4096x256xi1>, vector<4096x256xi32>
    %get3A_101 = arith.constant 2560 : index
    %get3A_102 = arith.constant 0 : index
    %get3A_103 = vector.load %arg5[%get3A_101, %get3A_102] : memref<8192x64xf32, #tpu.memory_space<vmem>>, vector<256x64xf32>
    %dot_general3A_104 = arith.constant dense<0.000000e+00> : vector<4096x256xf32>
    %dot_general3A_105 = tpu.matmul %div3A_7, %get3A_103, %dot_general3A_104 {dimension_numbers = #tpu.dot_dimension_numbers<[1], [1], [0], [0], [0, 0, 1, 0], [], []>, transpose_lhs_hint = false} : vector<4096x64xf32>, vector<256x64xf32>, vector<4096x256xf32> -> vector<4096x256xf32>
    %gt3A_106 = arith.cmpf ogt, %dot_general3A_105, %select_n3A_97 : vector<4096x256xf32>
    %select_n3A_107 = arith.select %gt3A_106, %dot_general3A_105, %select_n3A_97 : vector<4096x256xi1>, vector<4096x256xf32>
    %jit3A_108 = arith.constant 10 : i32
    %broadcast_in_dim3A_109 = vector.broadcast %jit3A_108 : i32 to vector<4096x256xi32>
    %select_n3A_110 = arith.select %gt3A_106, %broadcast_in_dim3A_109, %select_n3A_100 : vector<4096x256xi1>, vector<4096x256xi32>
    %get3A_111 = arith.constant 2816 : index
    %get3A_112 = arith.constant 0 : index
    %get3A_113 = vector.load %arg5[%get3A_111, %get3A_112] : memref<8192x64xf32, #tpu.memory_space<vmem>>, vector<256x64xf32>
    %dot_general3A_114 = arith.constant dense<0.000000e+00> : vector<4096x256xf32>
    %dot_general3A_115 = tpu.matmul %div3A_7, %get3A_113, %dot_general3A_114 {dimension_numbers = #tpu.dot_dimension_numbers<[1], [1], [0], [0], [0, 0, 1, 0], [], []>, transpose_lhs_hint = false} : vector<4096x64xf32>, vector<256x64xf32>, vector<4096x256xf32> -> vector<4096x256xf32>
    %gt3A_116 = arith.cmpf ogt, %dot_general3A_115, %select_n3A_107 : vector<4096x256xf32>
    %select_n3A_117 = arith.select %gt3A_116, %dot_general3A_115, %select_n3A_107 : vector<4096x256xi1>, vector<4096x256xf32>
    %jit3A_118 = arith.constant 11 : i32
    %broadcast_in_dim3A_119 = vector.broadcast %jit3A_118 : i32 to vector<4096x256xi32>
    %select_n3A_120 = arith.select %gt3A_116, %broadcast_in_dim3A_119, %select_n3A_110 : vector<4096x256xi1>, vector<4096x256xi32>
    %get3A_121 = arith.constant 3072 : index
    %get3A_122 = arith.constant 0 : index
    %get3A_123 = vector.load %arg5[%get3A_121, %get3A_122] : memref<8192x64xf32, #tpu.memory_space<vmem>>, vector<256x64xf32>
    %dot_general3A_124 = arith.constant dense<0.000000e+00> : vector<4096x256xf32>
    %dot_general3A_125 = tpu.matmul %div3A_7, %get3A_123, %dot_general3A_124 {dimension_numbers = #tpu.dot_dimension_numbers<[1], [1], [0], [0], [0, 0, 1, 0], [], []>, transpose_lhs_hint = false} : vector<4096x64xf32>, vector<256x64xf32>, vector<4096x256xf32> -> vector<4096x256xf32>
    %gt3A_126 = arith.cmpf ogt, %dot_general3A_125, %select_n3A_117 : vector<4096x256xf32>
    %select_n3A_127 = arith.select %gt3A_126, %dot_general3A_125, %select_n3A_117 : vector<4096x256xi1>, vector<4096x256xf32>
    %jit3A_128 = arith.constant 12 : i32
    %broadcast_in_dim3A_129 = vector.broadcast %jit3A_128 : i32 to vector<4096x256xi32>
    %select_n3A_130 = arith.select %gt3A_126, %broadcast_in_dim3A_129, %select_n3A_120 : vector<4096x256xi1>, vector<4096x256xi32>
    %get3A_131 = arith.constant 3328 : index
    %get3A_132 = arith.constant 0 : index
    %get3A_133 = vector.load %arg5[%get3A_131, %get3A_132] : memref<8192x64xf32, #tpu.memory_space<vmem>>, vector<256x64xf32>
    %dot_general3A_134 = arith.constant dense<0.000000e+00> : vector<4096x256xf32>
    %dot_general3A_135 = tpu.matmul %div3A_7, %get3A_133, %dot_general3A_134 {dimension_numbers = #tpu.dot_dimension_numbers<[1], [1], [0], [0], [0, 0, 1, 0], [], []>, transpose_lhs_hint = false} : vector<4096x64xf32>, vector<256x64xf32>, vector<4096x256xf32> -> vector<4096x256xf32>
    %gt3A_136 = arith.cmpf ogt, %dot_general3A_135, %select_n3A_127 : vector<4096x256xf32>
    %select_n3A_137 = arith.select %gt3A_136, %dot_general3A_135, %select_n3A_127 : vector<4096x256xi1>, vector<4096x256xf32>
    %jit3A_138 = arith.constant 13 : i32
    %broadcast_in_dim3A_139 = vector.broadcast %jit3A_138 : i32 to vector<4096x256xi32>
    %select_n3A_140 = arith.select %gt3A_136, %broadcast_in_dim3A_139, %select_n3A_130 : vector<4096x256xi1>, vector<4096x256xi32>
    %get3A_141 = arith.constant 3584 : index
    %get3A_142 = arith.constant 0 : index
    %get3A_143 = vector.load %arg5[%get3A_141, %get3A_142] : memref<8192x64xf32, #tpu.memory_space<vmem>>, vector<256x64xf32>
    %dot_general3A_144 = arith.constant dense<0.000000e+00> : vector<4096x256xf32>
    %dot_general3A_145 = tpu.matmul %div3A_7, %get3A_143, %dot_general3A_144 {dimension_numbers = #tpu.dot_dimension_numbers<[1], [1], [0], [0], [0, 0, 1, 0], [], []>, transpose_lhs_hint = false} : vector<4096x64xf32>, vector<256x64xf32>, vector<4096x256xf32> -> vector<4096x256xf32>
    %gt3A_146 = arith.cmpf ogt, %dot_general3A_145, %select_n3A_137 : vector<4096x256xf32>
    %select_n3A_147 = arith.select %gt3A_146, %dot_general3A_145, %select_n3A_137 : vector<4096x256xi1>, vector<4096x256xf32>
    %jit3A_148 = arith.constant 14 : i32
    %broadcast_in_dim3A_149 = vector.broadcast %jit3A_148 : i32 to vector<4096x256xi32>
    %select_n3A_150 = arith.select %gt3A_146, %broadcast_in_dim3A_149, %select_n3A_140 : vector<4096x256xi1>, vector<4096x256xi32>
    %get3A_151 = arith.constant 3840 : index
    %get3A_152 = arith.constant 0 : index
    %get3A_153 = vector.load %arg5[%get3A_151, %get3A_152] : memref<8192x64xf32, #tpu.memory_space<vmem>>, vector<256x64xf32>
    %dot_general3A_154 = arith.constant dense<0.000000e+00> : vector<4096x256xf32>
    %dot_general3A_155 = tpu.matmul %div3A_7, %get3A_153, %dot_general3A_154 {dimension_numbers = #tpu.dot_dimension_numbers<[1], [1], [0], [0], [0, 0, 1, 0], [], []>, transpose_lhs_hint = false} : vector<4096x64xf32>, vector<256x64xf32>, vector<4096x256xf32> -> vector<4096x256xf32>
    %gt3A_156 = arith.cmpf ogt, %dot_general3A_155, %select_n3A_147 : vector<4096x256xf32>
    %select_n3A_157 = arith.select %gt3A_156, %dot_general3A_155, %select_n3A_147 : vector<4096x256xi1>, vector<4096x256xf32>
    %jit3A_158 = arith.constant 15 : i32
    %broadcast_in_dim3A_159 = vector.broadcast %jit3A_158 : i32 to vector<4096x256xi32>
    %select_n3A_160 = arith.select %gt3A_156, %broadcast_in_dim3A_159, %select_n3A_150 : vector<4096x256xi1>, vector<4096x256xi32>
    %get3A_161 = arith.constant 4096 : index
    %get3A_162 = arith.constant 0 : index
    %get3A_163 = vector.load %arg5[%get3A_161, %get3A_162] : memref<8192x64xf32, #tpu.memory_space<vmem>>, vector<256x64xf32>
    %dot_general3A_164 = arith.constant dense<0.000000e+00> : vector<4096x256xf32>
    %dot_general3A_165 = tpu.matmul %div3A_7, %get3A_163, %dot_general3A_164 {dimension_numbers = #tpu.dot_dimension_numbers<[1], [1], [0], [0], [0, 0, 1, 0], [], []>, transpose_lhs_hint = false} : vector<4096x64xf32>, vector<256x64xf32>, vector<4096x256xf32> -> vector<4096x256xf32>
    %gt3A_166 = arith.cmpf ogt, %dot_general3A_165, %select_n3A_157 : vector<4096x256xf32>
    %select_n3A_167 = arith.select %gt3A_166, %dot_general3A_165, %select_n3A_157 : vector<4096x256xi1>, vector<4096x256xf32>
    %jit3A_168 = arith.constant 16 : i32
    %broadcast_in_dim3A_169 = vector.broadcast %jit3A_168 : i32 to vector<4096x256xi32>
    %select_n3A_170 = arith.select %gt3A_166, %broadcast_in_dim3A_169, %select_n3A_160 : vector<4096x256xi1>, vector<4096x256xi32>
    %get3A_171 = arith.constant 4352 : index
    %get3A_172 = arith.constant 0 : index
    %get3A_173 = vector.load %arg5[%get3A_171, %get3A_172] : memref<8192x64xf32, #tpu.memory_space<vmem>>, vector<256x64xf32>
    %dot_general3A_174 = arith.constant dense<0.000000e+00> : vector<4096x256xf32>
    %dot_general3A_175 = tpu.matmul %div3A_7, %get3A_173, %dot_general3A_174 {dimension_numbers = #tpu.dot_dimension_numbers<[1], [1], [0], [0], [0, 0, 1, 0], [], []>, transpose_lhs_hint = false} : vector<4096x64xf32>, vector<256x64xf32>, vector<4096x256xf32> -> vector<4096x256xf32>
    %gt3A_176 = arith.cmpf ogt, %dot_general3A_175, %select_n3A_167 : vector<4096x256xf32>
    %select_n3A_177 = arith.select %gt3A_176, %dot_general3A_175, %select_n3A_167 : vector<4096x256xi1>, vector<4096x256xf32>
    %jit3A_178 = arith.constant 17 : i32
    %broadcast_in_dim3A_179 = vector.broadcast %jit3A_178 : i32 to vector<4096x256xi32>
    %select_n3A_180 = arith.select %gt3A_176, %broadcast_in_dim3A_179, %select_n3A_170 : vector<4096x256xi1>, vector<4096x256xi32>
    %get3A_181 = arith.constant 4608 : index
    %get3A_182 = arith.constant 0 : index
    %get3A_183 = vector.load %arg5[%get3A_181, %get3A_182] : memref<8192x64xf32, #tpu.memory_space<vmem>>, vector<256x64xf32>
    %dot_general3A_184 = arith.constant dense<0.000000e+00> : vector<4096x256xf32>
    %dot_general3A_185 = tpu.matmul %div3A_7, %get3A_183, %dot_general3A_184 {dimension_numbers = #tpu.dot_dimension_numbers<[1], [1], [0], [0], [0, 0, 1, 0], [], []>, transpose_lhs_hint = false} : vector<4096x64xf32>, vector<256x64xf32>, vector<4096x256xf32> -> vector<4096x256xf32>
    %gt3A_186 = arith.cmpf ogt, %dot_general3A_185, %select_n3A_177 : vector<4096x256xf32>
    %select_n3A_187 = arith.select %gt3A_186, %dot_general3A_185, %select_n3A_177 : vector<4096x256xi1>, vector<4096x256xf32>
    %jit3A_188 = arith.constant 18 : i32
    %broadcast_in_dim3A_189 = vector.broadcast %jit3A_188 : i32 to vector<4096x256xi32>
    %select_n3A_190 = arith.select %gt3A_186, %broadcast_in_dim3A_189, %select_n3A_180 : vector<4096x256xi1>, vector<4096x256xi32>
    %get3A_191 = arith.constant 4864 : index
    %get3A_192 = arith.constant 0 : index
    %get3A_193 = vector.load %arg5[%get3A_191, %get3A_192] : memref<8192x64xf32, #tpu.memory_space<vmem>>, vector<256x64xf32>
    %dot_general3A_194 = arith.constant dense<0.000000e+00> : vector<4096x256xf32>
    %dot_general3A_195 = tpu.matmul %div3A_7, %get3A_193, %dot_general3A_194 {dimension_numbers = #tpu.dot_dimension_numbers<[1], [1], [0], [0], [0, 0, 1, 0], [], []>, transpose_lhs_hint = false} : vector<4096x64xf32>, vector<256x64xf32>, vector<4096x256xf32> -> vector<4096x256xf32>
    %gt3A_196 = arith.cmpf ogt, %dot_general3A_195, %select_n3A_187 : vector<4096x256xf32>
    %select_n3A_197 = arith.select %gt3A_196, %dot_general3A_195, %select_n3A_187 : vector<4096x256xi1>, vector<4096x256xf32>
    %jit3A_198 = arith.constant 19 : i32
    %broadcast_in_dim3A_199 = vector.broadcast %jit3A_198 : i32 to vector<4096x256xi32>
    %select_n3A_200 = arith.select %gt3A_196, %broadcast_in_dim3A_199, %select_n3A_190 : vector<4096x256xi1>, vector<4096x256xi32>
    %get3A_201 = arith.constant 5120 : index
    %get3A_202 = arith.constant 0 : index
    %get3A_203 = vector.load %arg5[%get3A_201, %get3A_202] : memref<8192x64xf32, #tpu.memory_space<vmem>>, vector<256x64xf32>
    %dot_general3A_204 = arith.constant dense<0.000000e+00> : vector<4096x256xf32>
    %dot_general3A_205 = tpu.matmul %div3A_7, %get3A_203, %dot_general3A_204 {dimension_numbers = #tpu.dot_dimension_numbers<[1], [1], [0], [0], [0, 0, 1, 0], [], []>, transpose_lhs_hint = false} : vector<4096x64xf32>, vector<256x64xf32>, vector<4096x256xf32> -> vector<4096x256xf32>
    %gt3A_206 = arith.cmpf ogt, %dot_general3A_205, %select_n3A_197 : vector<4096x256xf32>
    %select_n3A_207 = arith.select %gt3A_206, %dot_general3A_205, %select_n3A_197 : vector<4096x256xi1>, vector<4096x256xf32>
    %jit3A_208 = arith.constant 20 : i32
    %broadcast_in_dim3A_209 = vector.broadcast %jit3A_208 : i32 to vector<4096x256xi32>
    %select_n3A_210 = arith.select %gt3A_206, %broadcast_in_dim3A_209, %select_n3A_200 : vector<4096x256xi1>, vector<4096x256xi32>
    %get3A_211 = arith.constant 5376 : index
    %get3A_212 = arith.constant 0 : index
    %get3A_213 = vector.load %arg5[%get3A_211, %get3A_212] : memref<8192x64xf32, #tpu.memory_space<vmem>>, vector<256x64xf32>
    %dot_general3A_214 = arith.constant dense<0.000000e+00> : vector<4096x256xf32>
    %dot_general3A_215 = tpu.matmul %div3A_7, %get3A_213, %dot_general3A_214 {dimension_numbers = #tpu.dot_dimension_numbers<[1], [1], [0], [0], [0, 0, 1, 0], [], []>, transpose_lhs_hint = false} : vector<4096x64xf32>, vector<256x64xf32>, vector<4096x256xf32> -> vector<4096x256xf32>
    %gt3A_216 = arith.cmpf ogt, %dot_general3A_215, %select_n3A_207 : vector<4096x256xf32>
    %select_n3A_217 = arith.select %gt3A_216, %dot_general3A_215, %select_n3A_207 : vector<4096x256xi1>, vector<4096x256xf32>
    %jit3A_218 = arith.constant 21 : i32
    %broadcast_in_dim3A_219 = vector.broadcast %jit3A_218 : i32 to vector<4096x256xi32>
    %select_n3A_220 = arith.select %gt3A_216, %broadcast_in_dim3A_219, %select_n3A_210 : vector<4096x256xi1>, vector<4096x256xi32>
    %get3A_221 = arith.constant 5632 : index
    %get3A_222 = arith.constant 0 : index
    %get3A_223 = vector.load %arg5[%get3A_221, %get3A_222] : memref<8192x64xf32, #tpu.memory_space<vmem>>, vector<256x64xf32>
    %dot_general3A_224 = arith.constant dense<0.000000e+00> : vector<4096x256xf32>
    %dot_general3A_225 = tpu.matmul %div3A_7, %get3A_223, %dot_general3A_224 {dimension_numbers = #tpu.dot_dimension_numbers<[1], [1], [0], [0], [0, 0, 1, 0], [], []>, transpose_lhs_hint = false} : vector<4096x64xf32>, vector<256x64xf32>, vector<4096x256xf32> -> vector<4096x256xf32>
    %gt3A_226 = arith.cmpf ogt, %dot_general3A_225, %select_n3A_217 : vector<4096x256xf32>
    %select_n3A_227 = arith.select %gt3A_226, %dot_general3A_225, %select_n3A_217 : vector<4096x256xi1>, vector<4096x256xf32>
    %jit3A_228 = arith.constant 22 : i32
    %broadcast_in_dim3A_229 = vector.broadcast %jit3A_228 : i32 to vector<4096x256xi32>
    %select_n3A_230 = arith.select %gt3A_226, %broadcast_in_dim3A_229, %select_n3A_220 : vector<4096x256xi1>, vector<4096x256xi32>
    %get3A_231 = arith.constant 5888 : index
    %get3A_232 = arith.constant 0 : index
    %get3A_233 = vector.load %arg5[%get3A_231, %get3A_232] : memref<8192x64xf32, #tpu.memory_space<vmem>>, vector<256x64xf32>
    %dot_general3A_234 = arith.constant dense<0.000000e+00> : vector<4096x256xf32>
    %dot_general3A_235 = tpu.matmul %div3A_7, %get3A_233, %dot_general3A_234 {dimension_numbers = #tpu.dot_dimension_numbers<[1], [1], [0], [0], [0, 0, 1, 0], [], []>, transpose_lhs_hint = false} : vector<4096x64xf32>, vector<256x64xf32>, vector<4096x256xf32> -> vector<4096x256xf32>
    %gt3A_236 = arith.cmpf ogt, %dot_general3A_235, %select_n3A_227 : vector<4096x256xf32>
    %select_n3A_237 = arith.select %gt3A_236, %dot_general3A_235, %select_n3A_227 : vector<4096x256xi1>, vector<4096x256xf32>
    %jit3A_238 = arith.constant 23 : i32
    %broadcast_in_dim3A_239 = vector.broadcast %jit3A_238 : i32 to vector<4096x256xi32>
    %select_n3A_240 = arith.select %gt3A_236, %broadcast_in_dim3A_239, %select_n3A_230 : vector<4096x256xi1>, vector<4096x256xi32>
    %get3A_241 = arith.constant 6144 : index
    %get3A_242 = arith.constant 0 : index
    %get3A_243 = vector.load %arg5[%get3A_241, %get3A_242] : memref<8192x64xf32, #tpu.memory_space<vmem>>, vector<256x64xf32>
    %dot_general3A_244 = arith.constant dense<0.000000e+00> : vector<4096x256xf32>
    %dot_general3A_245 = tpu.matmul %div3A_7, %get3A_243, %dot_general3A_244 {dimension_numbers = #tpu.dot_dimension_numbers<[1], [1], [0], [0], [0, 0, 1, 0], [], []>, transpose_lhs_hint = false} : vector<4096x64xf32>, vector<256x64xf32>, vector<4096x256xf32> -> vector<4096x256xf32>
    %gt3A_246 = arith.cmpf ogt, %dot_general3A_245, %select_n3A_237 : vector<4096x256xf32>
    %select_n3A_247 = arith.select %gt3A_246, %dot_general3A_245, %select_n3A_237 : vector<4096x256xi1>, vector<4096x256xf32>
    %jit3A_248 = arith.constant 24 : i32
    %broadcast_in_dim3A_249 = vector.broadcast %jit3A_248 : i32 to vector<4096x256xi32>
    %select_n3A_250 = arith.select %gt3A_246, %broadcast_in_dim3A_249, %select_n3A_240 : vector<4096x256xi1>, vector<4096x256xi32>
    %get3A_251 = arith.constant 6400 : index
    %get3A_252 = arith.constant 0 : index
    %get3A_253 = vector.load %arg5[%get3A_251, %get3A_252] : memref<8192x64xf32, #tpu.memory_space<vmem>>, vector<256x64xf32>
    %dot_general3A_254 = arith.constant dense<0.000000e+00> : vector<4096x256xf32>
    %dot_general3A_255 = tpu.matmul %div3A_7, %get3A_253, %dot_general3A_254 {dimension_numbers = #tpu.dot_dimension_numbers<[1], [1], [0], [0], [0, 0, 1, 0], [], []>, transpose_lhs_hint = false} : vector<4096x64xf32>, vector<256x64xf32>, vector<4096x256xf32> -> vector<4096x256xf32>
    %gt3A_256 = arith.cmpf ogt, %dot_general3A_255, %select_n3A_247 : vector<4096x256xf32>
    %select_n3A_257 = arith.select %gt3A_256, %dot_general3A_255, %select_n3A_247 : vector<4096x256xi1>, vector<4096x256xf32>
    %jit3A_258 = arith.constant 25 : i32
    %broadcast_in_dim3A_259 = vector.broadcast %jit3A_258 : i32 to vector<4096x256xi32>
    %select_n3A_260 = arith.select %gt3A_256, %broadcast_in_dim3A_259, %select_n3A_250 : vector<4096x256xi1>, vector<4096x256xi32>
    %get3A_261 = arith.constant 6656 : index
    %get3A_262 = arith.constant 0 : index
    %get3A_263 = vector.load %arg5[%get3A_261, %get3A_262] : memref<8192x64xf32, #tpu.memory_space<vmem>>, vector<256x64xf32>
    %dot_general3A_264 = arith.constant dense<0.000000e+00> : vector<4096x256xf32>
    %dot_general3A_265 = tpu.matmul %div3A_7, %get3A_263, %dot_general3A_264 {dimension_numbers = #tpu.dot_dimension_numbers<[1], [1], [0], [0], [0, 0, 1, 0], [], []>, transpose_lhs_hint = false} : vector<4096x64xf32>, vector<256x64xf32>, vector<4096x256xf32> -> vector<4096x256xf32>
    %gt3A_266 = arith.cmpf ogt, %dot_general3A_265, %select_n3A_257 : vector<4096x256xf32>
    %select_n3A_267 = arith.select %gt3A_266, %dot_general3A_265, %select_n3A_257 : vector<4096x256xi1>, vector<4096x256xf32>
    %jit3A_268 = arith.constant 26 : i32
    %broadcast_in_dim3A_269 = vector.broadcast %jit3A_268 : i32 to vector<4096x256xi32>
    %select_n3A_270 = arith.select %gt3A_266, %broadcast_in_dim3A_269, %select_n3A_260 : vector<4096x256xi1>, vector<4096x256xi32>
    %get3A_271 = arith.constant 6912 : index
    %get3A_272 = arith.constant 0 : index
    %get3A_273 = vector.load %arg5[%get3A_271, %get3A_272] : memref<8192x64xf32, #tpu.memory_space<vmem>>, vector<256x64xf32>
    %dot_general3A_274 = arith.constant dense<0.000000e+00> : vector<4096x256xf32>
    %dot_general3A_275 = tpu.matmul %div3A_7, %get3A_273, %dot_general3A_274 {dimension_numbers = #tpu.dot_dimension_numbers<[1], [1], [0], [0], [0, 0, 1, 0], [], []>, transpose_lhs_hint = false} : vector<4096x64xf32>, vector<256x64xf32>, vector<4096x256xf32> -> vector<4096x256xf32>
    %gt3A_276 = arith.cmpf ogt, %dot_general3A_275, %select_n3A_267 : vector<4096x256xf32>
    %select_n3A_277 = arith.select %gt3A_276, %dot_general3A_275, %select_n3A_267 : vector<4096x256xi1>, vector<4096x256xf32>
    %jit3A_278 = arith.constant 27 : i32
    %broadcast_in_dim3A_279 = vector.broadcast %jit3A_278 : i32 to vector<4096x256xi32>
    %select_n3A_280 = arith.select %gt3A_276, %broadcast_in_dim3A_279, %select_n3A_270 : vector<4096x256xi1>, vector<4096x256xi32>
    %get3A_281 = arith.constant 7168 : index
    %get3A_282 = arith.constant 0 : index
    %get3A_283 = vector.load %arg5[%get3A_281, %get3A_282] : memref<8192x64xf32, #tpu.memory_space<vmem>>, vector<256x64xf32>
    %dot_general3A_284 = arith.constant dense<0.000000e+00> : vector<4096x256xf32>
    %dot_general3A_285 = tpu.matmul %div3A_7, %get3A_283, %dot_general3A_284 {dimension_numbers = #tpu.dot_dimension_numbers<[1], [1], [0], [0], [0, 0, 1, 0], [], []>, transpose_lhs_hint = false} : vector<4096x64xf32>, vector<256x64xf32>, vector<4096x256xf32> -> vector<4096x256xf32>
    %gt3A_286 = arith.cmpf ogt, %dot_general3A_285, %select_n3A_277 : vector<4096x256xf32>
    %select_n3A_287 = arith.select %gt3A_286, %dot_general3A_285, %select_n3A_277 : vector<4096x256xi1>, vector<4096x256xf32>
    %jit3A_288 = arith.constant 28 : i32
    %broadcast_in_dim3A_289 = vector.broadcast %jit3A_288 : i32 to vector<4096x256xi32>
    %select_n3A_290 = arith.select %gt3A_286, %broadcast_in_dim3A_289, %select_n3A_280 : vector<4096x256xi1>, vector<4096x256xi32>
    %get3A_291 = arith.constant 7424 : index
    %get3A_292 = arith.constant 0 : index
    %get3A_293 = vector.load %arg5[%get3A_291, %get3A_292] : memref<8192x64xf32, #tpu.memory_space<vmem>>, vector<256x64xf32>
    %dot_general3A_294 = arith.constant dense<0.000000e+00> : vector<4096x256xf32>
    %dot_general3A_295 = tpu.matmul %div3A_7, %get3A_293, %dot_general3A_294 {dimension_numbers = #tpu.dot_dimension_numbers<[1], [1], [0], [0], [0, 0, 1, 0], [], []>, transpose_lhs_hint = false} : vector<4096x64xf32>, vector<256x64xf32>, vector<4096x256xf32> -> vector<4096x256xf32>
    %gt3A_296 = arith.cmpf ogt, %dot_general3A_295, %select_n3A_287 : vector<4096x256xf32>
    %select_n3A_297 = arith.select %gt3A_296, %dot_general3A_295, %select_n3A_287 : vector<4096x256xi1>, vector<4096x256xf32>
    %jit3A_298 = arith.constant 29 : i32
    %broadcast_in_dim3A_299 = vector.broadcast %jit3A_298 : i32 to vector<4096x256xi32>
    %select_n3A_300 = arith.select %gt3A_296, %broadcast_in_dim3A_299, %select_n3A_290 : vector<4096x256xi1>, vector<4096x256xi32>
    %get3A_301 = arith.constant 7680 : index
    %get3A_302 = arith.constant 0 : index
    %get3A_303 = vector.load %arg5[%get3A_301, %get3A_302] : memref<8192x64xf32, #tpu.memory_space<vmem>>, vector<256x64xf32>
    %dot_general3A_304 = arith.constant dense<0.000000e+00> : vector<4096x256xf32>
    %dot_general3A_305 = tpu.matmul %div3A_7, %get3A_303, %dot_general3A_304 {dimension_numbers = #tpu.dot_dimension_numbers<[1], [1], [0], [0], [0, 0, 1, 0], [], []>, transpose_lhs_hint = false} : vector<4096x64xf32>, vector<256x64xf32>, vector<4096x256xf32> -> vector<4096x256xf32>
    %gt3A_306 = arith.cmpf ogt, %dot_general3A_305, %select_n3A_297 : vector<4096x256xf32>
    %select_n3A_307 = arith.select %gt3A_306, %dot_general3A_305, %select_n3A_297 : vector<4096x256xi1>, vector<4096x256xf32>
    %jit3A_308 = arith.constant 30 : i32
    %broadcast_in_dim3A_309 = vector.broadcast %jit3A_308 : i32 to vector<4096x256xi32>
    %select_n3A_310 = arith.select %gt3A_306, %broadcast_in_dim3A_309, %select_n3A_300 : vector<4096x256xi1>, vector<4096x256xi32>
    %get3A_311 = arith.constant 7936 : index
    %get3A_312 = arith.constant 0 : index
    %get3A_313 = vector.load %arg5[%get3A_311, %get3A_312] : memref<8192x64xf32, #tpu.memory_space<vmem>>, vector<256x64xf32>
    %dot_general3A_314 = arith.constant dense<0.000000e+00> : vector<4096x256xf32>
    %dot_general3A_315 = tpu.matmul %div3A_7, %get3A_313, %dot_general3A_314 {dimension_numbers = #tpu.dot_dimension_numbers<[1], [1], [0], [0], [0, 0, 1, 0], [], []>, transpose_lhs_hint = false} : vector<4096x64xf32>, vector<256x64xf32>, vector<4096x256xf32> -> vector<4096x256xf32>
    %gt3A_316 = arith.cmpf ogt, %dot_general3A_315, %select_n3A_307 : vector<4096x256xf32>
    %select_n3A_317 = arith.select %gt3A_316, %dot_general3A_315, %select_n3A_307 : vector<4096x256xi1>, vector<4096x256xf32>
    %jit3A_318 = arith.constant 31 : i32
    %broadcast_in_dim3A_319 = vector.broadcast %jit3A_318 : i32 to vector<4096x256xi32>
    %select_n3A_320 = arith.select %gt3A_316, %broadcast_in_dim3A_319, %select_n3A_310 : vector<4096x256xi1>, vector<4096x256xi32>
    %reduce_max3A = arith.constant dense<0xFF800000> : vector<4096xf32>
    %reduce_max3A_321 = vector.multi_reduction <maximumf>, %select_n3A_317, %reduce_max3A [1] : vector<4096x256xf32> to vector<4096xf32>
    %broadcast_in_dim3A_322 = vector.shape_cast %reduce_max3A_321 : vector<4096xf32> to vector<4096x1xf32>
    %iota3A = tpu.iota {dimensions = array<i32: 1>} : vector<4096x256xi32>
    %mul3A_323 = arith.constant 256 : i32
    %mul3A_324 = vector.broadcast %mul3A_323 : i32 to vector<4096x256xi32>
    %mul3A_325 = arith.muli %select_n3A_320, %mul3A_324 : vector<4096x256xi32>
    %add3A = arith.addi %mul3A_325, %iota3A : vector<4096x256xi32>
    %eq3A_326 = vector.broadcast %broadcast_in_dim3A_322 : vector<4096x1xf32> to vector<4096x256xf32>
    %eq3A_327 = arith.cmpf oeq, %select_n3A_317, %eq3A_326 : vector<4096x256xf32>
    %jit3A_328 = arith.constant 8192 : i32
    %broadcast_in_dim3A_329 = vector.broadcast %jit3A_328 : i32 to vector<4096x256xi32>
    %select_n3A_330 = arith.select %eq3A_327, %add3A, %broadcast_in_dim3A_329 : vector<4096x256xi1>, vector<4096x256xi32>
    %reduce_min3A = arith.constant dense<2147483647> : vector<4096xi32>
    %reduce_min3A_331 = vector.multi_reduction <minsi>, %select_n3A_330, %reduce_min3A [1] : vector<4096x256xi32> to vector<4096xi32>
    %broadcast_in_dim3A_332 = vector.shape_cast %reduce_min3A_331 : vector<4096xi32> to vector<4096x1xi32>
    %swap3A = arith.constant 0 : index
    %swap3A_333 = arith.constant 0 : index
    %swap3A_334 = vector.load %arg3[%swap3A, %swap3A_333] : memref<4096x1xi32, #tpu.memory_space<vmem>>, vector<4096x1xi32>
    tpu.vector_store %arg3[%swap3A, %swap3A_333], %broadcast_in_dim3A_332 {strides = array<i32>} : memref<4096x1xi32, #tpu.memory_space<vmem>>, vector<4096x1xi32>,
    return
  }
  func.func @transform_0(%arg0: i32) -> (i32, i32) {
    %c0_i32 = arith.constant 0 : i32
    %c0_i32_0 = arith.constant 0 : i32
    return %arg0, %c0_i32 : i32, i32
  }
  func.func @transform_1(%arg0: i32) -> (i32, i32) {
    %c0_i32 = arith.constant 0 : i32
    %c0_i32_0 = arith.constant 0 : i32
    %c0_i32_1 = arith.constant 0 : i32
    return %c0_i32, %c0_i32_0 : i32, i32
  }
  func.func @transform_2(%arg0: i32) -> (i32, i32) {
    %c0_i32 = arith.constant 0 : i32
    %c0_i32_0 = arith.constant 0 : i32
    return %arg0, %c0_i32 : i32, i32
  }
  func.func @transform_3(%arg0: i32) -> (i32, i32) {
    %c0_i32 = arith.constant 0 : i32
    %c0_i32_0 = arith.constant 0 : i32
    %c0_i32_1 = arith.constant 0 : i32
    return %c0_i32, %c0_i32_0 : i32, i32
  }
}

module attributes {stable_mosaic.version = 14 : i64} {
  func.func @_stats_body(%arg0: i32, %arg1: memref<1024x128xf32, #tpu.memory_space<vmem>>, %arg2: memref<1024x64xf32, #tpu.memory_space<vmem>>, %arg3: memref<2x8192xf32, #tpu.memory_space<vmem>>, %arg4: memref<1x64x1024xf32, #tpu.memory_space<vmem>>, %arg5: memref<1x1xf32, #tpu.memory_space<smem>>, %arg6: memref<1x1xf32, #tpu.memory_space<smem>>, %arg7: memref<1x1xf32, #tpu.memory_space<smem>>) attributes {dimension_semantics = [#tpu.dimension_semantics<arbitrary>], iteration_bounds = array<i64: 8>, scalar_prefetch = 0 : i64, scratch_operands = 1 : i64, tpu.core_type = #tpu.core_type<tc>, window_params = [{transform_indices = @transform_0, window_bounds = array<i64: 1024, 128>}, {transform_indices = @transform_1, window_bounds = array<i64: 1024, 64>}, {pipeline_mode = #tpu.pipeline_mode<synchronous>, transform_indices = @transform_2, window_bounds = array<i64: 2, 8192>}, {transform_indices = @transform_3, window_bounds = array<i64: 1, 64, 1024>}, {transform_indices = @transform_4, window_bounds = array<i64: 1, 1>}, {transform_indices = @transform_5, window_bounds = array<i64: 1, 1>}]} {
    %eq3A = arith.constant 0 : i32
    %eq3A_0 = arith.cmpi eq, %arg0, %eq3A : i32
    %convert_element_type3A = arith.extui %eq3A_0 : i1 to i32
    %cond3A = arith.constant 0 : i32
    %cond3A_1 = arith.cmpi ne, %convert_element_type3A, %cond3A : i32
    scf.if %cond3A_1 {
      %swap3A_25 = arith.constant 0.000000e+00 : f32
      %swap3A_26 = arith.constant 0 : index
      %swap3A_27 = arith.constant 0 : index
      %swap3A_28 = memref.load %arg7[%swap3A_26, %swap3A_27] : memref<1x1xf32, #tpu.memory_space<smem>>
      memref.store %swap3A_25, %arg7[%swap3A_26, %swap3A_27] : memref<1x1xf32, #tpu.memory_space<smem>>
    } else {
    }
    %get3A = arith.constant 0 : index
    %get3A_2 = arith.constant 0 : index
    %get3A_3 = vector.load %arg1[%get3A, %get3A_2] : memref<1024x128xf32, #tpu.memory_space<vmem>>, vector<1024x64xf32>
    %transpose3A = tpu.transpose %get3A_3, [1, 0] : vector<1024x64xf32> -> vector<64x1024xf32>
    %reshape3A = vector.shape_cast %transpose3A : vector<64x1024xf32> to vector<1x64x1024xf32>
    %swap3A = arith.constant 0 : index
    %swap3A_4 = arith.constant 0 : index
    %swap3A_5 = arith.constant 0 : index
    %swap3A_6 = vector.load %arg4[%swap3A, %swap3A_4, %swap3A_5] : memref<1x64x1024xf32, #tpu.memory_space<vmem>>, vector<1x64x1024xf32>
    tpu.vector_store %arg4[%swap3A, %swap3A_4, %swap3A_5], %reshape3A {strides = array<i32>} : memref<1x64x1024xf32, #tpu.memory_space<vmem>>, vector<1x64x1024xf32>,
    %get3A_7 = arith.constant 0 : index
    %get3A_8 = arith.constant 0 : index
    %get3A_9 = vector.load %arg2[%get3A_7, %get3A_8] : memref<1024x64xf32, #tpu.memory_space<vmem>>, vector<1024x64xf32>
    %sub3A = arith.subf %get3A_3, %get3A_9 : vector<1024x64xf32>
    %get3A_10 = arith.constant 0 : index
    %get3A_11 = arith.constant 0 : index
    %get3A_12 = memref.load %arg7[%get3A_10, %get3A_11] : memref<1x1xf32, #tpu.memory_space<smem>>
    %mul3A = arith.mulf %sub3A, %sub3A : vector<1024x64xf32>
    %reduce_sum3A = vector.shape_cast %mul3A : vector<1024x64xf32> to vector<1x1024x64xf32>
    %reduce_sum3A_13 = arith.constant dense<0.000000e+00> : vector<1xf32>
    %reduce_sum3A_14 = vector.multi_reduction <add>, %reduce_sum3A, %reduce_sum3A_13 [1, 2] : vector<1x1024x64xf32> to vector<1xf32>
    %reduce_sum3A_15 = vector.shape_cast %reduce_sum3A_14 : vector<1xf32> to vector<1x1x1xf32>
    %reduce_sum3A_16 = vector.extract %reduce_sum3A_15[0, 0, 0] : f32 from vector<1x1x1xf32>
    %add3A = arith.addf %get3A_12, %reduce_sum3A_16 : f32
    %swap3A_17 = arith.constant 0 : index
    %swap3A_18 = arith.constant 0 : index
    %swap3A_19 = memref.load %arg7[%swap3A_17, %swap3A_18] : memref<1x1xf32, #tpu.memory_space<smem>>
    memref.store %add3A, %arg7[%swap3A_17, %swap3A_18] : memref<1x1xf32, #tpu.memory_space<smem>>
    %eq3A_20 = arith.constant 7 : i32
    %eq3A_21 = arith.cmpi eq, %arg0, %eq3A_20 : i32
    %convert_element_type3A_22 = arith.extui %eq3A_21 : i1 to i32
    %cond3A_23 = arith.constant 0 : i32
    %cond3A_24 = arith.cmpi ne, %convert_element_type3A_22, %cond3A_23 : i32
    scf.if %cond3A_24 {
      %get3A_25 = arith.constant 0 : index
      %get3A_26 = arith.constant 0 : index
      %get3A_27 = memref.load %arg7[%get3A_25, %get3A_26] : memref<1x1xf32, #tpu.memory_space<smem>>
      %mul3A_28 = arith.constant 1.250000e+00 : f32
      %mul3A_29 = arith.mulf %mul3A_28, %get3A_27 : f32
      %div3A = arith.constant 5.242880e+05 : f32
      %div3A_30 = arith.divf %mul3A_29, %div3A : f32
      %swap3A_31 = arith.constant 0 : index
      %swap3A_32 = arith.constant 0 : index
      %swap3A_33 = memref.load %arg5[%swap3A_31, %swap3A_32] : memref<1x1xf32, #tpu.memory_space<smem>>
      memref.store %div3A_30, %arg5[%swap3A_31, %swap3A_32] : memref<1x1xf32, #tpu.memory_space<smem>>
      %get3A_34 = arith.constant 0 : index
      %get3A_35 = arith.constant 0 : index
      %get3A_36 = vector.load %arg3[%get3A_34, %get3A_35] : memref<2x8192xf32, #tpu.memory_space<vmem>>, vector<1x8192xf32>
      %get3A_37 = arith.constant 1 : index
      %get3A_38 = arith.constant 0 : index
      %get3A_39 = vector.load %arg3[%get3A_37, %get3A_38] : memref<2x8192xf32, #tpu.memory_space<vmem>>, vector<1x8192xf32>
      %add3A_40 = arith.addf %get3A_36, %get3A_39 : vector<1x8192xf32>
      %div3A_41 = arith.constant 8.192000e+03 : f32
      %div3A_42 = vector.broadcast %div3A_41 : f32 to vector<1x8192xf32>
      %div3A_43 = arith.divf %add3A_40, %div3A_42 : vector<1x8192xf32>
      %add3A_44 = arith.constant 1.000000e-10 : f32
      %add3A_45 = vector.broadcast %add3A_44 : f32 to vector<1x8192xf32>
      %add3A_46 = arith.addf %div3A_43, %add3A_45 : vector<1x8192xf32>
      %log3A = math.log %add3A_46 : vector<1x8192xf32>
      %mul3A_47 = arith.mulf %div3A_43, %log3A : vector<1x8192xf32>
      %reduce_sum3A_48 = vector.shape_cast %mul3A_47 : vector<1x8192xf32> to vector<1x1x8192xf32>
      %reduce_sum3A_49 = arith.constant dense<0.000000e+00> : vector<1xf32>
      %reduce_sum3A_50 = vector.multi_reduction <add>, %reduce_sum3A_48, %reduce_sum3A_49 [1, 2] : vector<1x1x8192xf32> to vector<1xf32>
      %reduce_sum3A_51 = vector.shape_cast %reduce_sum3A_50 : vector<1xf32> to vector<1x1x1xf32>
      %reduce_sum3A_52 = vector.extract %reduce_sum3A_51[0, 0, 0] : f32 from vector<1x1x1xf32>
      %neg3A = arith.constant 0.000000e+00 : f32
      %neg3A_53 = arith.subf %neg3A, %reduce_sum3A_52 : f32
      %exp3A = math.exp %neg3A_53 : f32
      %swap3A_54 = arith.constant 0 : index
      %swap3A_55 = arith.constant 0 : index
      %swap3A_56 = memref.load %arg6[%swap3A_54, %swap3A_55] : memref<1x1xf32, #tpu.memory_space<smem>>
      memref.store %exp3A, %arg6[%swap3A_54, %swap3A_55] : memref<1x1xf32, #tpu.memory_space<smem>>
    } else {
    }
    return
  }
  func.func @transform_0(%arg0: i32) -> (i32, i32) {
    %c0_i32 = arith.constant 0 : i32
    %c0_i32_0 = arith.constant 0 : i32
    return %arg0, %c0_i32 : i32, i32
  }
  func.func @transform_1(%arg0: i32) -> (i32, i32) {
    %c0_i32 = arith.constant 0 : i32
    %c0_i32_0 = arith.constant 0 : i32
    return %arg0, %c0_i32 : i32, i32
  }
  func.func @transform_2(%arg0: i32) -> (i32, i32) {
    %c0_i32 = arith.constant 0 : i32
    %c0_i32_0 = arith.constant 0 : i32
    %c0_i32_1 = arith.constant 0 : i32
    return %c0_i32, %c0_i32_0 : i32, i32
  }
  func.func @transform_3(%arg0: i32) -> (i32, i32, i32) {
    %c0_i32 = arith.constant 0 : i32
    %c0_i32_0 = arith.constant 0 : i32
    %c0_i32_1 = arith.constant 0 : i32
    return %arg0, %c0_i32, %c0_i32_0 : i32, i32, i32
  }
  func.func @transform_4(%arg0: i32) -> (i32, i32) {
    %c0_i32 = arith.constant 0 : i32
    %c0_i32_0 = arith.constant 0 : i32
    %c0_i32_1 = arith.constant 0 : i32
    return %c0_i32, %c0_i32_0 : i32, i32
  }
  func.func @transform_5(%arg0: i32) -> (i32, i32) {
    %c0_i32 = arith.constant 0 : i32
    %c0_i32_0 = arith.constant 0 : i32
    %c0_i32_1 = arith.constant 0 : i32
    return %c0_i32, %c0_i32_0 : i32, i32
  }
}

</mosaic_0001>

<sc_bundles>
// kernel: kernel.5.cloned.1.call-start
scs
__scs_entry_jumppad:
0x0: {  	(pc) =	sbr.rel $0x88, $3  }
0x1: {  	(tag) =	ssettag $0x0;
	lr =	simm.s32 $0x1  }
0x2: {  	[smem:$0x3F9F] =	sst lr;
	_ =	strace $0xD0000000  }
0x3: {  	_ = 	snop  }
0x4: {  	_ = 	snop  }
0x5: {  	_ = 	snop  }
0x6: {  	_ = 	snop  }
0x7: {  	_ = 	snop  }
__scs_overlays_trampoline_lowered:
0x8: {  	[smem:$0x3FAE] =	sst s0  }
0x9: {  	[smem:$0x3FAF] =	sst s1  }
0xa: {  	[smem:$0x3FB0] =	sst s2  }
0xb: {  	[smem:$0x3FB1] =	sst s3  }
0xc: {  	[smem:$0x3FB2] =	sst s4  }
0xd: {  	[smem:$0x3FB3] =	sst s5  }
0xe: {  	[smem:$0x3FB4] =	sst s6  }
0xf: {  	[smem:$0x3FB5] =	sst s7  }
0x10: {  	[smem:$0x3FB6] =	sst s8  }
0x11: {  	[smem:$0x3FB7] =	sst s9;
	s0 =	simm.s32 @!p0 $0x0  }
0x12: {  	s1 =	sld [smem:$0x3F9D];
	s0 =	simm.s32 @p0 $0x1  }
0x13: {  	[smem:$0x3FB8] =	sst s0;
	s0 =	simm.s32 @!p1 $0x0  }
0x14: {  	s2 =	sld [smem:$0x3F9C];
	s0 =	simm.s32 @p1 $0x1  }
0x15: {  	[smem:$0x3FB9] =	sst s0;
	s0 =	simm.s32 @!p2 $0x0  }
0x16: {  	s3 =	sld [smem:$0x3FDB];
	s0 =	simm.s32 @p2 $0x1  }
0x17: {  	s4 =	simm.s32 $0x1BF5;
	[smem:$0x3FBB] =	sst s0  }
0x18: {  	s0 =	sld [smem:$0x3F9E];
	_ =	swait.ge [sflag:s4], $0x0  }
0x19: {  	s7 =	sld [smem:$0x3F9F]  }
0x1a: {  	s8 =	sadd.s32 $0xFFFFE003, lr  }
0x1b: {  	s9 =	sadd.s32 $0xFFFFFEF7, lr;
	s5 =	simm.s32 $0xFFFFFFFF;
	p2 =	slt.u32 s8, $0xFFFFF086  }
0x1c: {  	p1 =	slt.u32 s9, $0xF7A;
	s5 =	simm.s32 @!p2 $0x0  }
0x1d: {  	s5 =	simm.s32 @p1 $0x1;
	p0 =	seq.s32 s7, s2  }
0x1e: {  	s7 =	smul.u32 @!p0 $0xF7A, s2;
	p2 =	seq.s32 @!p0 s5, $0x0  }
0x1f: {  	s9 =	smul.u32 $0xF7A, s1;
	s8 =	simm.s32 @!p0 $0x1BF5;
	p2 =	por !p2, p0  }
0x20: {  	[sflag:s8] =	ssyncset.s32 @!p0 $0xFFFFF086;
	s6 =	sadd.s32 @!p0 s3, s7;
	s7 =	simm.s32 @!p0 $0x108  }
0x21: {  	s3 =	sadd.s32 s3, s9;
	s6 =	sadd.s32 @!p0 $0x88, s6;
	s7 =	simm.s32 @p2 $0x1082  }
0x22: {  	[simem:s7], [sflag:s8] =	dma.local @!p0 [hbm:s6], $0xF7A  }
0x23: {  	s9 =	sor.u32 $0xD0000000, s2;
	s6 =	simm.s32 $0x108;
	_ =	swait.ge @!p0 [sflag:s8], $0x0  }
0x24: {  	s3 =	sadd.s32 $0x88, s3;
	s6 =	simm.s32 @!p1 $0x1082;
	[sflag:s4] =	ssyncset.s32 $0xFFFFF086  }
0x25: {  	[simem:s6], [sflag:s4] =	dma.local [hbm:s3], $0xF7A  }
0x26: {  	[smem:$0x3F9F] =	sst s1;
	(tag) =	ssettag s2;
	_ =	strace s9  }
0x27: {  	s1 =	sld [smem:$0x3FAF]  }
0x28: {  	s2 =	sld [smem:$0x3FB0]  }
0x29: {  	s4 =	sld [smem:$0x3FB2]  }
0x2a: {  	p0 =	seq.s32 s5, $0x0;
	s5 =	sld [smem:$0x3FB3]  }
0x2b: {  	s6 =	sld [smem:$0x3FB4]  }
0x2c: {  	s7 =	sld [smem:$0x3FB5]  }
0x2d: {  	s3 =	simm.s32 $0x108;
	s8 =	sld [smem:$0x3FB6]  }
0x2e: {  	s3 =	simm.s32 @!p0 $0x1082;
	s9 =	sld [smem:$0x3FB7]  }
0x2f: {  	lr =	sadd.s32 s0, s3;
	s0 =	sld [smem:$0x3FAE]  }
0x30: {  	s3 =	sld [smem:$0x3FB1]  }
0x31: {  	[smem:$0x3FBA] =	sst s10  }
0x32: {  	s10 =	sld [smem:$0x3FB8];
	_ =	sdelay $0x3  }
0x33: {  	p0 =	seq.s32 s10, $0x1;
	s10 =	sld [smem:$0x3FBA];
	_ =	sdelay $0x3  }
0x34: {  	[smem:$0x3FBA] =	sst s10  }
0x35: {  	s10 =	sld [smem:$0x3FB9];
	_ =	sdelay $0x3  }
0x36: {  	p1 =	seq.s32 s10, $0x1;
	s10 =	sld [smem:$0x3FBA];
	_ =	sdelay $0x3  }
0x37: {  	[smem:$0x3FBA] =	sst s10  }
0x38: {  	s10 =	sld [smem:$0x3FBB]  }
0x39: {  	_ = 	snop;
	(pc) =	sbr.ind lr, $3  }
0x3a: {  	_ = 	snop  }
0x3b: {  	_ = 	snop  }
0x3c: {  	p2 =	seq.s32 s10, $0x1;
	s10 =	sld [smem:$0x3FBA]  }
0x3d: {  	_ =	shalt  }
0x3e: {  	_ =	shalt  }
0x3f: {  	_ =	shalt  }
0x40: {  	_ =	shalt  }
0x41: {  	_ =	shalt  }
0x42: {  	_ =	shalt  }
0x43: {  	_ =	shalt  }
0x44: {  	_ =	shalt  }
0x45: {  	_ =	shalt  }
0x46: {  	_ =	shalt  }
0x47: {  	_ =	shalt  }
0x48: {  	_ =	shalt  }
0x49: {  	_ =	shalt  }
0x4a: {  	_ =	shalt  }
0x4b: {  	_ =	shalt  }
0x4c: {  	_ =	shalt  }
0x4d: {  	_ =	shalt  }
0x4e: {  	_ =	shalt  }
0x4f: {  	_ =	shalt  }
0x50: {  	_ =	shalt  }
0x51: {  	_ =	shalt  }
0x52: {  	_ =	shalt  }
0x53: {  	_ =	shalt  }
0x54: {  	_ =	shalt  }
0x55: {  	_ =	shalt  }
0x56: {  	_ =	shalt  }
0x57: {  	_ =	shalt  }
0x58: {  	_ =	shalt  }
0x59: {  	_ =	shalt  }
0x5a: {  	_ =	shalt  }
0x5b: {  	_ =	shalt  }
0x5c: {  	_ =	shalt  }
0x5d: {  	_ =	shalt  }
0x5e: {  	_ =	shalt  }
0x5f: {  	_ =	shalt  }
0x60: {  	_ =	shalt  }
0x61: {  	_ =	shalt  }
0x62: {  	_ =	shalt  }
0x63: {  	_ =	shalt  }
0x64: {  	_ =	shalt  }
0x65: {  	_ =	shalt  }
0x66: {  	_ =	shalt  }
0x67: {  	_ =	shalt  }
0x68: {  	_ =	shalt  }
0x69: {  	_ =	shalt  }
0x6a: {  	_ =	shalt  }
0x6b: {  	_ =	shalt  }
0x6c: {  	_ =	shalt  }
0x6d: {  	_ =	shalt  }
0x6e: {  	_ =	shalt  }
0x6f: {  	_ =	shalt  }
0x70: {  	_ =	shalt  }
0x71: {  	_ =	shalt  }
0x72: {  	_ =	shalt  }
0x73: {  	_ =	shalt  }
0x74: {  	_ =	shalt  }
0x75: {  	_ =	shalt  }
0x76: {  	_ =	shalt  }
0x77: {  	_ =	shalt  }
0x78: {  	_ =	shalt  }
0x79: {  	_ =	shalt  }
0x7a: {  	_ =	shalt  }
0x7b: {  	_ =	shalt  }
0x7c: {  	_ =	shalt  }
0x7d: {  	_ =	shalt  }
0x7e: {  	_ =	shalt  }
0x7f: {  	_ =	shalt  }
0x80: {  	_ =	shalt  }
0x81: {  	_ =	shalt  }
0x82: {  	_ =	shalt  }
0x83: {  	_ =	shalt  }
0x84: {  	_ =	shalt  }
0x85: {  	_ =	shalt  }
0x86: {  	_ =	shalt  }
0x87: {  	_ =	shalt  }
.Lfunc_end0:
.L_simem_size_0:
called_computation_lowered:
.L_overlay_start_0:
0x88: {  	s2 =	sld [smem:$0x3FD9]  }
0x89: {  	s3 =	sld [smem:$0x3FFE];
	_ =	sdelay $0x1  }
0x8a: {  	s1 =	srdreg.scid  }
0x8b: {  	s0 =	sand.u32 $0x1, s1  }
0x8c: {  	s14 =	sshll.u32 s0, $0xA;
	s2 =	sadd.s32 s3, s2  }
0x8d: {  	s2 =	sadd.s32 s2, s14  }
0x8e: {  	[smem:$0x3FC6] =	sst s2  }
0x8f: {  	_ = 	snop  }
0x90: {  	s2 =	sld [smem:$0x3FD0];
	_ =	sdelay $0x2  }
0x91: {  	s15 =	simm.s32 $0xA;
	s4 =	simm.s32 $0x10  }
0x92: {  	[smem:s4], [sflag:s15] =	dma.local [hbm:s2], $0x1  }
0x93: {  	_ =	swait.eq [sflag:s15], $0x1  }
0x94: {  	[sflag:s15] =	ssyncset.done $0x0  }
0x95: {  	s16 =	sld [smem:$0x10];
	[sflag:s15] =	ssyncadd.s32 $0xFFFFFFFF  }
0x96: {  	s17 =	sld [smem:$0x11];
	(tm) =	ssettm $0x1  }
0x97: {  	s18 =	sld [smem:$0x3FFB];
	_ =	sdelay $0x3  }
0x98: {  	_ =	strace s18  }
0x99: {  	s4 =	sld [smem:$0x3FFC];
	_ =	sdelay $0x3  }
0x9a: {  	_ =	strace s4  }
0x9b: {  	s4 =	sld [smem:$0x3FFD];
	_ =	sdelay $0x3  }
0x9c: {  	_ =	strace s4  }
0x9d: {  	_ =	strace $0x8FFFFFFF  }
0x9e: {  	s19 =	sld [smem:$0x3FDB];
	_ =	sdelay $0x1  }
0x9f: {  	s5 =	simm.s32 $_scs_section_size  }
0xa0: {  	s6 =	simm.s32 $_size__tile_overlayer_lowered;
	s7 =	simm.s32 $_tile_overlayer_lowered  }
0xa1: {  	s22 =	simm.s32 $0x1BFF;
	s21 =	sshll.u32 s7, $0x1;
	s4 =	sadd.s32 s5, s19  }
0xa2: {  	s8 =	simm.s32 $0x0;
	s20 =	sshll.u32 s6, $0x1;
	s6 =	sadd.s32 s21, s4  }
0xa3: {  	[timem:s8], [sflag:s22] =	dma.local [hbm:s6], s20  }
0xa4: {  	_ =	swait.ge [sflag:s22], s20  }
0xa5: {  	s5 =	ssub.s32 $0x0, s20;
	[sflag:s22] =	ssyncset.done $0x0  }
0xa6: {  	[sflag:s22] =	ssyncadd.s32 s5;
	_ =	sdelay $0x1  }
0xa7: {  	s23 =	simm.s32 $0x1B8B  }
0xa8: {  	_ =	swait.ge [sflag:s23], $0x1  }
0xa9: {  	[sflag:s23] =	ssyncset.done $0x0  }
0xaa: {  	s25 =	simm.s32 $0x1B8E;
	s24 =	sld [smem:$0x3FFE];
	[sflag:s23] =	ssyncadd.s32 $0xFFFFFFFF  }
0xab: {  	s26 =	simm.s32 $execute0_lowered;
	[smem:$0x3FD2] =	sst s25  }
0xac: {  	s6 =	sshll.u32 s26, $0x1;
	_ =	strace $0x80000046;
	[dreg:$0x1] =	wrdreg $0xFFFFFFFF  }
0xad: {  	s28 =	simm.s32 $_size_execute0_lowered;
	s4 =	sadd.s32 s4, s6;
	[dreg:$0x0] =	wrdreg $0x0  }
0xae: {  	s6 =	sshll.u32 s28, $0x1;
	[dreg:$0x2] =	wrdreg s4  }
0xaf: {  	[dreg:$0x3] =	wrdreg s6  }
0xb0: {  	[dreg:$0x4] =	wrdreg $0xC0  }
0xb1: {  	_ =	task [dreg:s8], $0x5FFFF  }
0xb2: {  	[dreg:$0x1] =	wrdreg $0xFFFFFFFF  }
0xb3: {  	[dreg:$0x0] =	wrdreg $0x60  }
0xb4: {  	[dreg:$0x2] =	wrdreg s16  }
0xb5: {  	[dreg:$0x3] =	wrdreg s17  }
0xb6: {  	[dreg:$0x4] =	wrdreg s24  }
0xb7: {  	[dreg:$0x5] =	wrdreg $0x43800  }
0xb8: {  	[dreg:$0x6] =	wrdreg $0x9  }
0xb9: {  	_ =	task.clear_ibuf [dreg:s8], $0x7FFFF;
	_ =	strace $0x90000046  }
0xba: {  	s29 =	simm.s32 $0x9;
	_ =	strace $0x80000048  }
0xbb: {  	_ =	swait.ge [sflag:s29], $0x1  }
0xbc: {  	[sflag:s29] =	ssyncadd.s32 $0xFFFFFFFF  }
0xbd: {  	_ =	strace $0x90000048  }
0xbe: {  	_ =	sfence  }
0xbf: {  	s30 =	sld [smem:$0x0];
	_ =	sdelay $0x2  }
0xc0: {  	s31 =	sshll.u32 s1, $0xD;
	s1 =	sshrl.u32 s1, $0x2  }
0xc1: {  	s3 =	sand.u32 $0x4000, s31;
	s1 =	sadd.s32 s1, s30  }
0xc2: {  	s0 =	sor.u32 s3, s0;
	s1 =	sshll.u32 s1, $0x11  }
0xc3: {  	s0 =	sor.u32 s1, s0  }
0xc4: {  	s0 =	sadd.s32 $0x8F2B, s0  }
0xc5: {  	[sflag:s0] =	ssyncadd.remote.s32 $0x1  }
0xc6: {  	_ =	sfence.sel $0xFFFF  }
0xc7: {  	[dreg:$0x0] =	wrdreg $0xFFFFFFFF;
	(pc) =	sbr.abs _section_cstart, $3  }
0xc8: {  	[dreg:$0x1] =	wrdreg $0xFFFFFFFF  }
0xc9: {  	_ =	task.clear_ibuf [dreg:s8], $0x2FFFF;
	_ =	strace $0x9FFFFFFF  }
0xca: {  	(tm) =	ssettm $0x7FFFFFFF  }
0xcb: {  	_ =	shalt  }
tec
execute0_lowered:
.L_overlay_start_1:
0x0: {  	(tag) =	ssettag $0x1  }
0x1: {  	s1 =	rddreg [dreg:$0x0]  }
0x2: {  	s7 =	rddreg [dreg:$0x1]  }
0x3: {  	s14 =	rddreg [dreg:$0x2]  }
0x4: {  	s2 =	rddreg [dreg:$0x3];
	s3 =	simm.s32 $0x0  }
0x5: {  	v0 =	vimm.f32 $1.000000000e+00;
	[smem:$0x7FF] =	sst s3  }
0x6: {  	s0 =	rddreg [dreg:$0x4];
	_ =	strace $0x80000047;
	[tilespmem:$0x4120] =	vst v0  }
0x7: {  	[tilespmem:$0x4130] =	vst v0  }
0x8: {  	[tilespmem:$0x4140] =	vst v0  }
0x9: {  	[tilespmem:$0x4150] =	vst v0  }
0xa: {  	[tilespmem:$0x4160] =	vst v0  }
0xb: {  	v1 =	vimm.f32 $0.0e+00;
	[tilespmem:$0x4170] =	vst v0  }
0xc: {  	[tilespmem:$0x4180] =	vst v1  }
0xd: {  	[tilespmem:$0x4190] =	vst v1  }
0xe: {  	[tilespmem:$0x41A0] =	vst v1  }
0xf: {  	[tilespmem:$0x41B0] =	vst v1  }
0x10: {  	[tilespmem:$0x41C0] =	vst v1  }
0x11: {  	[tilespmem:$0x41D0] =	vst v1  }
0x12: {  	[tilespmem:$0x41E0] =	vst v1  }
0x13: {  	[tilespmem:$0x41F0] =	vst v1  }
0x14: {  	[tilespmem:$0x4200] =	vst v1  }
0x15: {  	[tilespmem:$0x4210] =	vst v1  }
0x16: {  	[tilespmem:$0x4220] =	vst v1  }
0x17: {  	[tilespmem:$0x4230] =	vst v1  }
0x18: {  	[tilespmem:$0x4100] =	vst v0  }
0x19: {  	[tilespmem:$0x4370] =	vst v1  }
0x1a: {  	[tilespmem:$0x4360] =	vst v1  }
0x1b: {  	[tilespmem:$0x4350] =	vst v1  }
0x1c: {  	[tilespmem:$0x4340] =	vst v1  }
0x1d: {  	[tilespmem:$0x4330] =	vst v1  }
0x1e: {  	[tilespmem:$0x4320] =	vst v1  }
0x1f: {  	[tilespmem:$0x4310] =	vst v1  }
0x20: {  	[tilespmem:$0x4300] =	vst v1  }
0x21: {  	[tilespmem:$0x42F0] =	vst v1  }
0x22: {  	[tilespmem:$0x42E0] =	vst v1  }
0x23: {  	[tilespmem:$0x42D0] =	vst v1  }
0x24: {  	[tilespmem:$0x42C0] =	vst v1  }
0x25: {  	[tilespmem:$0x42B0] =	vst v1  }
0x26: {  	[tilespmem:$0x42A0] =	vst v1  }
0x27: {  	[tilespmem:$0x4290] =	vst v1  }
0x28: {  	[tilespmem:$0x4280] =	vst v1  }
0x29: {  	[tilespmem:$0x4270] =	vst v1  }
0x2a: {  	s4 =	srdreg.scid;
	[tilespmem:$0x4260] =	vst v1  }
0x2b: {  	s15 =	stileid.u32;
	s6 =	simm.s32 $0x2;
	s16 =	sand.u32 $0x1, s4;
	[tilespmem:$0x4250] =	vst v1  }
0x2c: {  	s5 =	sshll.u32 s15, $0x9;
	s8 =	sshll.u32 s15, $0x5;
	s4 =	sshll.u32 s16, $0x4;
	[tilespmem:$0x4240] =	vst v1  }
0x2d: {  	[tilespmem:$0x4110] =	vst v0;
	s11 =	sor.u32 s15, s4;
	s4 =	sadd.s32 s5, s2;
	s5 =	simm.s32 $0x4180  }
0x2e: {  	[spmem:s4] =	stream.linear.scatter [tilespmem:s5], [sflag:$0x2], $0x200, $0x38;
	[tilespmem:$0x4580] =	vst v63  }
0x2f: {  	s8 =	sand.u32 $0x60, s8;
	s9 =	sshll.u32 s11, $0x5;
	_ =	swait.ge [sflag:s6], $0x200  }
0x30: {  	s7 =	sadd.s32 s7, s8;
	s9 =	sand.u32 $0x380, s9;
	[sflag:s6] =	ssyncset.done $0x0  }
0x31: {  	s7 =	sadd.s32 s9, s7;
	[sflag:s6] =	ssyncadd.s32 $0xFFFFFE00  }
0x32: {  	[tilespmem:s3], [sflag:$0x2] =	stream.linear.gather [hbm4b:s7+s3], $0x100, $0x38;
	[tilespmem:$0x4580] =	vst v63  }
0x33: {  	_ =	swait.ge [sflag:s6], $0x100  }
0x34: {  	[sflag:s6] =	ssyncset.done $0x0  }
0x35: {  	s10 =	simm.s32 $0x1;
	[sflag:s6] =	ssyncadd.s32 $0xFFFFFF00  }
0x36: {  	s8 =	simm.s32 $0x80;
	s9 =	simm.s32 $0x100;
	[bflag:$0x0] =	sbarrier.arrive $0xFFFF  }
0x37: {  	[tilespmem:s9], [sflag:$0x1] =	stream.indirect.gather [hbm4b:s1+s8], $0x80, s3, s8, $0xb8;
	[tilespmem:$0x4580] =	vst v63  }
0x38: {  	s11 =	sshll.u32 s11, $0xC;
	_ =	swait.ge [sflag:s10], $0x4000  }
0x39: {  	s13 =	sadd.s32 s11, s14;
	[sflag:s10] =	ssyncset.done $0x0  }
0x3a: {  	s11 =	sadd.s32 $0x1600, s13;
	[sflag:s10] =	ssyncadd.s32 $0xFFFFC000  }
0x3b: {  	[hbm4b:s11+s3] =	stream.linear.scatter [tilespmem:s9], [sflag:$0x2], $0x4000, $0x38;
	[tilespmem:$0x4580] =	vst v63  }
0x3c: {  	_ =	swait.ge [sflag:s6], $0x4000  }
0x3d: {  	[sflag:s6] =	ssyncset.done $0x0  }
0x3e: {  	s12 =	simm.s32 $0x4100;
	[sflag:s6] =	ssyncadd.s32 $0xFFFFC000  }
0x3f: {  	[spmem:s2] =	stream.indirect.scatter.add.f32 [tilespmem:s12], [sflag:$0x2], $0x1, s3, s8, $0xb8;
	[tilespmem:$0x4580] =	vst v63  }
0x40: {  	_ =	swait.ge [sflag:s6], $0x80  }
0x41: {  	[sflag:s6] =	ssyncset.done $0x0  }
0x42: {  	[sflag:s6] =	ssyncadd.s32 $0xFFFFFF80  }
0x43: {  	[tilespmem:s9], [sflag:$0x1] =	stream.indirect.gather [hbm4b:s1+s8], $0x80, s8, s8, $0xb8;
	[tilespmem:$0x4580] =	vst v63  }
0x44: {  	_ =	swait.ge [sflag:s10], $0x4000  }
0x45: {  	s17 =	sshll.u32 s16, $0xA;
	[sflag:s10] =	ssyncset.done $0x0  }
0x46: {  	s16 =	ssub.s32 $0x2, s16;
	s13 =	sadd.s32 $0x1E00, s13;
	[sflag:s10] =	ssyncadd.s32 $0xFFFFC000  }
0x47: {  	[hbm4b:s13+s3] =	stream.linear.scatter [tilespmem:s9], [sflag:$0x2], $0x4000, $0x38;
	[tilespmem:$0x4580] =	vst v63  }
0x48: {  	s31 =	sshrl.u32 s16, $0x1;
	_ =	swait.ge [sflag:s6], $0x4000  }
0x49: {  	s16 =	ssub.s32 s16, s31;
	[sflag:s6] =	ssyncset.done $0x0  }
0x4a: {  	p0 =	sne.s32 s15, $0x0;
	s16 =	smax.u32 s16, $0x1;
	[sflag:s6] =	ssyncadd.s32 $0xFFFFC000  }
0x4b: {  	[spmem:s2] =	stream.indirect.scatter.add.f32 [tilespmem:s12], [sflag:$0x2], $0x1, s8, s8, $0xb8;
	[tilespmem:$0x4580] =	vst v63  }
0x4c: {  	s14 =	sadd.s32 s17, s14;
	s17 =	sadd.s32 $0xFFFFFFFF, s16;
	_ =	swait.ge [sflag:s6], $0x80  }
0x4d: {  	s18 =	simm.s32 @!p0 $0x1C02;
	p1 =	sne.s32 s17, $0x0;
	[sflag:s6] =	ssyncset.done $0x0  }
.Ltmp0:
0x4e: {  	s15 =	sshrl.u32 @!p0 s2, $0x3;
	[sflag:s6] =	ssyncadd.s32 $0xFFFFFF80;
	(pc) =	sbr.rel @!p1 .LBB2_2-.Ltmp0, $4  }
0x4f: {  	s14 =	sadd.s32 $0xE00, s14;
	s16 =	simm.s32 @!p0 $0x2;
	[bflag:$0x0] =	sbarrier.arrive $0xFFFF  }
0x50: {  	[hbm:s14], [sflag:s18] =	dma.local @!p0 [spmem:s15], $0x400  }
0x51: {  	_ =	swait.ge @!p0 [sflag:s16], $0x400  }
0x52: {  	[sflag:s16] =	ssyncset.done @!p0 $0x0  }
.LBB2_1:
0x53: {  	s17 =	sadd.s32 $0xFFFFFFFF, s17;
	[sflag:s16] =	ssyncadd.s32 @!p0 $0xFFFFFC00  }
0x54: {  	[tilespmem:$0x4120] =	vst v0;
	p1 =	sne.s32 s17, $0x0  }
0x55: {  	[tilespmem:$0x4130] =	vst v0  }
0x56: {  	[tilespmem:$0x4140] =	vst v0  }
0x57: {  	[tilespmem:$0x4150] =	vst v0  }
0x58: {  	[tilespmem:$0x4160] =	vst v0  }
0x59: {  	[tilespmem:$0x4170] =	vst v0  }
0x5a: {  	[tilespmem:$0x4180] =	vst v1  }
0x5b: {  	[tilespmem:$0x4190] =	vst v1  }
0x5c: {  	[tilespmem:$0x41A0] =	vst v1  }
0x5d: {  	[tilespmem:$0x41B0] =	vst v1  }
0x5e: {  	[tilespmem:$0x41C0] =	vst v1  }
0x5f: {  	[tilespmem:$0x41D0] =	vst v1  }
0x60: {  	[tilespmem:$0x41E0] =	vst v1  }
0x61: {  	[tilespmem:$0x41F0] =	vst v1  }
0x62: {  	[tilespmem:$0x4200] =	vst v1  }
0x63: {  	[tilespmem:$0x4210] =	vst v1  }
0x64: {  	[tilespmem:$0x4220] =	vst v1  }
0x65: {  	[tilespmem:$0x4230] =	vst v1  }
0x66: {  	[tilespmem:$0x4100] =	vst v0  }
0x67: {  	[tilespmem:$0x4370] =	vst v1  }
0x68: {  	[tilespmem:$0x4360] =	vst v1  }
0x69: {  	[tilespmem:$0x4350] =	vst v1  }
0x6a: {  	[tilespmem:$0x4340] =	vst v1  }
0x6b: {  	[tilespmem:$0x4330] =	vst v1  }
0x6c: {  	[tilespmem:$0x4320] =	vst v1  }
0x6d: {  	[tilespmem:$0x4310] =	vst v1  }
0x6e: {  	[tilespmem:$0x4300] =	vst v1  }
0x6f: {  	[tilespmem:$0x42F0] =	vst v1  }
0x70: {  	[tilespmem:$0x42E0] =	vst v1  }
0x71: {  	[tilespmem:$0x42D0] =	vst v1  }
0x72: {  	[tilespmem:$0x42C0] =	vst v1  }
0x73: {  	[tilespmem:$0x42B0] =	vst v1  }
0x74: {  	[tilespmem:$0x42A0] =	vst v1  }
0x75: {  	[tilespmem:$0x4290] =	vst v1  }
0x76: {  	[tilespmem:$0x4280] =	vst v1  }
0x77: {  	[tilespmem:$0x4270] =	vst v1  }
0x78: {  	[tilespmem:$0x4260] =	vst v1  }
0x79: {  	[tilespmem:$0x4250] =	vst v1  }
0x7a: {  	[tilespmem:$0x4240] =	vst v1  }
0x7b: {  	[tilespmem:$0x4110] =	vst v0  }
0x7c: {  	[spmem:s4] =	stream.linear.scatter [tilespmem:s5], [sflag:$0x2], $0x200, $0x38;
	[tilespmem:$0x4580] =	vst v63  }
0x7d: {  	_ =	swait.ge [sflag:s6], $0x200  }
0x7e: {  	[sflag:s6] =	ssyncset.done $0x0  }
0x7f: {  	[sflag:s6] =	ssyncadd.s32 $0xFFFFFE00  }
0x80: {  	[tilespmem:s3], [sflag:$0x2] =	stream.linear.gather [hbm4b:s7+s3], $0x100, $0x38;
	[tilespmem:$0x4580] =	vst v63  }
0x81: {  	_ =	swait.ge [sflag:s6], $0x100  }
0x82: {  	[sflag:s6] =	ssyncset.done $0x0  }
0x83: {  	[sflag:s6] =	ssyncadd.s32 $0xFFFFFF00  }
0x84: {  	[bflag:$0x0] =	sbarrier.arrive $0xFFFF  }
0x85: {  	[tilespmem:s9], [sflag:$0x1] =	stream.indirect.gather [hbm4b:s1+s8], $0x80, s3, s8, $0xb8;
	[tilespmem:$0x4580] =	vst v63  }
0x86: {  	_ =	swait.ge [sflag:s10], $0x4000  }
0x87: {  	[sflag:s10] =	ssyncset.done $0x0  }
0x88: {  	[sflag:s10] =	ssyncadd.s32 $0xFFFFC000  }
0x89: {  	[hbm4b:s11+s3] =	stream.linear.scatter [tilespmem:s9], [sflag:$0x2], $0x4000, $0x38;
	[tilespmem:$0x4580] =	vst v63  }
0x8a: {  	_ =	swait.ge [sflag:s6], $0x4000  }
0x8b: {  	[sflag:s6] =	ssyncset.done $0x0  }
0x8c: {  	[sflag:s6] =	ssyncadd.s32 $0xFFFFC000  }
0x8d: {  	[spmem:s2] =	stream.indirect.scatter.add.f32 [tilespmem:s12], [sflag:$0x2], $0x1, s3, s8, $0xb8;
	[tilespmem:$0x4580] =	vst v63  }
0x8e: {  	_ =	swait.ge [sflag:s6], $0x80  }
0x8f: {  	[sflag:s6] =	ssyncset.done $0x0  }
0x90: {  	[sflag:s6] =	ssyncadd.s32 $0xFFFFFF80  }
0x91: {  	[tilespmem:s9], [sflag:$0x1] =	stream.indirect.gather [hbm4b:s1+s8], $0x80, s8, s8, $0xb8;
	[tilespmem:$0x4580] =	vst v63  }
0x92: {  	_ =	swait.ge [sflag:s10], $0x4000  }
0x93: {  	[sflag:s10] =	ssyncset.done $0x0  }
0x94: {  	[sflag:s10] =	ssyncadd.s32 $0xFFFFC000  }
0x95: {  	[hbm4b:s13+s3] =	stream.linear.scatter [tilespmem:s9], [sflag:$0x2], $0x4000, $0x38;
	[tilespmem:$0x4580] =	vst v63  }
0x96: {  	_ =	swait.ge [sflag:s6], $0x4000  }
0x97: {  	[sflag:s6] =	ssyncset.done $0x0  }
0x98: {  	[sflag:s6] =	ssyncadd.s32 $0xFFFFC000  }
0x99: {  	[spmem:s2] =	stream.indirect.scatter.add.f32 [tilespmem:s12], [sflag:$0x2], $0x1, s8, s8, $0xb8;
	[tilespmem:$0x4580] =	vst v63  }
0x9a: {  	_ =	swait.ge [sflag:s6], $0x80  }
0x9b: {  	[sflag:s6] =	ssyncset.done $0x0  }
.Ltmp1:
0x9c: {  	[sflag:s6] =	ssyncadd.s32 $0xFFFFFF80;
	(pc) =	sbr.rel @p1 .LBB2_1-.Ltmp1, $4  }
0x9d: {  	[bflag:$0x0] =	sbarrier.arrive $0xFFFF  }
0x9e: {  	[hbm:s14], [sflag:s18] =	dma.local @!p0 [spmem:s15], $0x400  }
0x9f: {  	_ =	swait.ge @!p0 [sflag:s16], $0x400  }
0xa0: {  	[sflag:s16] =	ssyncset.done @!p0 $0x0  }
.LBB2_2:
0xa1: {  	[sflag:s16] =	ssyncadd.s32 @!p0 $0xFFFFFC00  }
0xa2: {  	_ =	sfence.sel $0x180000  }
0xa3: {  	[bflag:$0x0] =	sbarrier.arrive $0xFFFF  }
0xa4: {  	_ =	strace $0x90000047  }
0xa5: {  	s0 =	sadd.s32 @!p0 $0x100000, s0;
	[bflag:$0x2] =	sbarrier.arrive $0xFFFF  }
0xa6: {  	[sflag:s0] =	ssyncadd.tile.s32 @!p0 $0x1;
	_ =	shalt  }
.Lfunc_end2:
_tile_overlayer_lowered:
.L_overlay_start_2:
0xa7: {  	(tag) =	ssettag $0x2  }
0xa8: {  	s0 =	rddreg [dreg:$0x0];
	s2 =	stileid.u32  }
0xa9: {  	s1 =	rddreg [dreg:$0x1];
	p0 =	sne.s32 s2, $0x0  }
0xaa: {  	s3 =	rddreg [dreg:$0x2];
	[bflag:$0x3] =	sbarrier.arrive $0xFFFF;
	s2 =	simm.s32 @!p0 $0x1C02  }
0xab: {  	[timem:s3], [sflag:s2] =	dma.local @!p0 [hbm:s0], s1  }
0xac: {  	s0 =	simm.s32 @!p0 $0x2  }
0xad: {  	_ =	swait.ge @!p0 [sflag:s0], s1  }
0xae: {  	s1 =	ssub.s32 @!p0 $0x0, s1;
	[sflag:s0] =	ssyncset.done @!p0 $0x0  }
0xaf: {  	[sflag:s0] =	ssyncadd.s32 @!p0 s1  }
0xb0: {  	[bflag:$0x3] =	sbarrier.arrive $0xFFFF  }
0xb1: {  	_ =	shalt  }

</sc_bundles>
